<compile_context>
chip_gen: v7x
topology: tpu7x:2x2x1
jax: 0.10.2.dev20260603
libtpu: 0.0.44.dev20260713+nightly
codegen_flags: <defaults>
</compile_context>

<pallas_src>
import functools

import jax
import jax.numpy as jnp
from jax import lax
from jax.experimental import pallas as pl
from jax.experimental.pallas import tpu as pltpu
from jax.experimental.pallas import tpu_sc as plsc

N = 10000
E = 320000
D_IN = 128
D_H = 128
D_EMB = 64
D_OUT = 40

NC = 2
NS = 16
NW = NC * NS
CHUNK = 128
CPT = 80
EP = NW * CPT * CHUNK
NCH = EP // CHUNK
NACC = 10240
RPT = NACC // NS

_MESH = plsc.VectorSubcoreMesh(core_axis_name="c", subcore_axis_name="s")


def _deg_partials(dstp):

    @functools.partial(
        pl.kernel,
        out_type=jax.ShapeDtypeStruct((NC, NACC, 16), jnp.float32),
        mesh=_MESH,
        compiler_params=pltpu.CompilerParams(use_tc_tiling_on_sc=False),
        scratch_types=[
            pltpu.VMEM((CPT, CHUNK), jnp.int32),
            pltpu.VMEM((CHUNK, 16), jnp.float32),
            pltpu.VMEM_SHARED((NACC, 16), jnp.float32),
        ],
    )
    def degk(dst_hbm, ones_hbm, z_hbm, out_hbm, dst_v, ones_v, acc_sh):
        c = lax.axis_index("c")
        s = lax.axis_index("s")
        pltpu.sync_copy(ones_hbm, ones_v)
        pltpu.sync_copy(z_hbm, acc_sh.at[pl.ds(s * RPT, RPT)])
        plsc.subcore_barrier()
        base = (c * NS + s) * CPT
        pltpu.sync_copy(dst_hbm.at[pl.ds(base, CPT)], dst_v)

        @pl.loop(0, CPT)
        def _(k):
            pltpu.sync_copy(ones_v, acc_sh.at[dst_v.at[k]], add=True)

        plsc.subcore_barrier()
        pltpu.sync_copy(acc_sh.at[pl.ds(s * RPT, RPT)],
                        out_hbm.at[c, pl.ds(s * RPT, RPT)])

    ones = jnp.ones((CHUNK, 16), jnp.float32)
    zeros = jnp.zeros((RPT, 16), jnp.float32)
    return degk(dstp, ones, zeros)


def _segsum_partials(g, srcp, dstp, d):

    @functools.partial(
        pl.kernel,
        out_type=jax.ShapeDtypeStruct((NC, NACC, d), jnp.bfloat16),
        mesh=_MESH,
        compiler_params=pltpu.CompilerParams(use_tc_tiling_on_sc=False),
        scratch_types=[
            pltpu.VMEM((CPT // 2, CHUNK), jnp.int32),
            pltpu.VMEM((CPT // 2, CHUNK), jnp.int32),
            pltpu.VMEM((2, CHUNK, d), jnp.bfloat16),
            pltpu.VMEM_SHARED((NACC, d), jnp.bfloat16),
            pltpu.SemaphoreType.DMA,
            pltpu.SemaphoreType.DMA,
        ],
    )
    def segk(g_hbm, src_hbm, dst_hbm, z_hbm, out_hbm, src_v, dst_v, rows_v,
             acc_sh, sem0, sem1):
        c = lax.axis_index("c")
        s = lax.axis_index("s")
        half = CPT // 2
        pltpu.sync_copy(z_hbm, acc_sh.at[pl.ds(s * RPT, RPT)])
        plsc.subcore_barrier()
        base = (c * NS + s) * CPT

        for phase in range(2):
            pltpu.sync_copy(
                src_hbm.at[pl.ds(base + phase * half, half)], src_v)
            pltpu.sync_copy(
                dst_hbm.at[pl.ds(base + phase * half, half)], dst_v)
            pltpu.async_copy(g_hbm.at[src_v.at[0]], rows_v.at[0], sem0)

            @pl.loop(0, half // 2)
            def _(t):
                k = 2 * t
                pltpu.async_copy(
                    g_hbm.at[src_v.at[k + 1]], rows_v.at[1], sem1)
                pltpu.make_async_copy(
                    g_hbm.at[src_v.at[k]], rows_v.at[0], sem0).wait()
                pltpu.sync_copy(
                    rows_v.at[0], acc_sh.at[dst_v.at[k]], add=True)

                @pl.when(t < half // 2 - 1)
                def _():
                    pltpu.async_copy(
                        g_hbm.at[src_v.at[k + 2]], rows_v.at[0], sem0)

                pltpu.make_async_copy(
                    g_hbm.at[src_v.at[k + 1]], rows_v.at[1], sem1).wait()
                pltpu.sync_copy(
                    rows_v.at[1], acc_sh.at[dst_v.at[k + 1]], add=True)

        plsc.subcore_barrier()
        pltpu.sync_copy(acc_sh.at[pl.ds(s * RPT, RPT)],
                        out_hbm.at[c, pl.ds(s * RPT, RPT)])

    return segk(g, srcp, dstp, jnp.zeros((RPT, d), jnp.bfloat16))


_BM = 1000
_GRID = N // _BM


def _mm(x, w):
    k, kout = w.shape

    def body(x_ref, w_ref, o_ref):
        o_ref[...] = jnp.dot(x_ref[...], w_ref[...],
                             preferred_element_type=jnp.float32)

    return pl.pallas_call(
        body,
        grid=(_GRID,),
        in_specs=[pl.BlockSpec((_BM, k), lambda i: (i, 0)),
                  pl.BlockSpec((k, kout), lambda i: (0, 0))],
        out_specs=pl.BlockSpec((_BM, kout), lambda i: (i, 0)),
        out_shape=jax.ShapeDtypeStruct((N, kout), jnp.float32),
    )(x, w)


def _scale_by_dis(degp, h):

    def body(p_ref, h_ref, g_ref, dis_ref):
        dtot = p_ref[0, :, 0:1] + p_ref[1, :, 0:1] + 1.0
        r = lax.rsqrt(dtot)
        g_ref[...] = (h_ref[...] * r).astype(jnp.bfloat16)
        dis_ref[...] = jnp.broadcast_to(r, dis_ref.shape)

    return pl.pallas_call(
        body,
        grid=(_GRID,),
        in_specs=[pl.BlockSpec((NC, _BM, 16), lambda i: (0, i, 0)),
                  pl.BlockSpec((_BM, D_H), lambda i: (i, 0))],
        out_specs=[pl.BlockSpec((_BM, D_H), lambda i: (i, 0)),
                   pl.BlockSpec((_BM, 16), lambda i: (i, 0))],
        out_shape=[jax.ShapeDtypeStruct((N, D_H), jnp.bfloat16),
                   jax.ShapeDtypeStruct((N, 16), jnp.float32)],
    )(degp, h)


def _layer1_finish(s1, g1, dis, b1, w2):

    def body(p_ref, g1_ref, dis_ref, b1_ref, w2_ref, g2_ref):
        r = dis_ref[:, 0:1]
        t = (p_ref[0].astype(jnp.float32) + p_ref[1].astype(jnp.float32)
             + g1_ref[...].astype(jnp.float32))
        t = jnp.maximum(r * t + b1_ref[...], 0.0)
        h2 = jnp.dot(t, w2_ref[...], preferred_element_type=jnp.float32)
        g2_ref[...] = (r * h2).astype(jnp.bfloat16)

    return pl.pallas_call(
        body,
        grid=(_GRID,),
        in_specs=[pl.BlockSpec((NC, _BM, D_H), lambda i: (0, i, 0)),
                  pl.BlockSpec((_BM, D_H), lambda i: (i, 0)),
                  pl.BlockSpec((_BM, 16), lambda i: (i, 0)),
                  pl.BlockSpec((D_H,), lambda i: (0,)),
                  pl.BlockSpec((D_H, D_EMB), lambda i: (0, 0))],
        out_specs=pl.BlockSpec((_BM, D_EMB), lambda i: (i, 0)),
        out_shape=jax.ShapeDtypeStruct((N, D_EMB), jnp.bfloat16),
    )(s1, g1, dis, b1, w2)


def _layer2_finish(s2, g2, dis, b2, wl, bl):

    def body(p_ref, g2_ref, dis_ref, b2_ref, wl_ref, bl_ref, o_ref):
        acc = (p_ref[0].astype(jnp.float32) + p_ref[1].astype(jnp.float32)
               + g2_ref[...].astype(jnp.float32))
        e = dis_ref[:, 0:1] * acc + b2_ref[...]
        logits = jnp.dot(e, wl_ref[...],
                         preferred_element_type=jnp.float32) + bl_ref[...]
        m = jnp.max(logits, axis=-1, keepdims=True)
        z = logits - m
        o_ref[...] = z - jnp.log(jnp.sum(jnp.exp(z), axis=-1, keepdims=True))

    return pl.pallas_call(
        body,
        grid=(_GRID,),
        in_specs=[pl.BlockSpec((NC, _BM, D_EMB), lambda i: (0, i, 0)),
                  pl.BlockSpec((_BM, D_EMB), lambda i: (i, 0)),
                  pl.BlockSpec((_BM, 16), lambda i: (i, 0)),
                  pl.BlockSpec((D_EMB,), lambda i: (0,)),
                  pl.BlockSpec((D_EMB, D_OUT), lambda i: (0, 0)),
                  pl.BlockSpec((D_OUT,), lambda i: (0,))],
        out_specs=pl.BlockSpec((_BM, D_OUT), lambda i: (i, 0)),
        out_shape=jax.ShapeDtypeStruct((N, D_OUT), jnp.float32),
    )(s2, g2, dis, b2, wl, bl)


def _pad_edges(edge_index):
    src = edge_index[0]
    dst = edge_index[1]
    pad = EP - E
    ar = jnp.arange(pad, dtype=jnp.int32)
    psrc = ar % N
    pdst = N + ar % (NACC - N)
    srcp = jnp.concatenate([src, psrc]).reshape(NCH, CHUNK)
    dstp = jnp.concatenate([dst, pdst]).reshape(NCH, CHUNK)
    return srcp, dstp


def kernel(x, edge_index, W1, b1, W2, b2, Wl, bl):
    srcp, dstp = _pad_edges(edge_index)
    degp = _deg_partials(dstp)
    h1x = _mm(x, W1)
    g1, dis = _scale_by_dis(degp, h1x)
    s1 = _segsum_partials(g1, srcp, dstp, D_H)
    g2 = _layer1_finish(s1, g1, dis, b1, W2)
    s2 = _segsum_partials(g2, srcp, dstp, D_EMB)
    return _layer2_finish(s2, g2, dis, b2, Wl, bl)

# --- scband reference (transcript-rebuilt; emitter-appended) ---
"""Pipeline reference for scband-gcn-32212254720504 (READ-ONLY COPY).

The authoritative reference and input builder live on the scoring server;
editing this copy changes nothing except your own understanding.
"""

import jax, jax.numpy as jnp
import numpy as np

N = 10000
E = 320000
D_IN = 128
D_H = 128
D_EMB = 64
D_OUT = 40


def setup_inputs(seed: int = 0) -> dict:
    key = jax.random.key(seed)
    ks = jax.random.split(key, 10)
    x = jax.random.normal(ks[0], (N, D_IN), dtype=jnp.float32)
    edge_index = jax.random.randint(ks[1], (2, E), 0, N, dtype=jnp.int32)
    W1 = jax.random.normal(ks[2], (D_IN, D_H), dtype=jnp.float32) * (1.0 / np.sqrt(D_IN))
    b1 = jnp.zeros((D_H,), dtype=jnp.float32)
    W2 = jax.random.normal(ks[3], (D_H, D_EMB), dtype=jnp.float32) * (1.0 / np.sqrt(D_H))
    b2 = jnp.zeros((D_EMB,), dtype=jnp.float32)
    Wl = jax.random.normal(ks[4], (D_EMB, D_OUT), dtype=jnp.float32) * (1.0 / np.sqrt(D_EMB))
    bl = jnp.zeros((D_OUT,), dtype=jnp.float32)
    return {"x": x, "edge_index": edge_index, "W1": W1, "b1": b1, "W2": W2, "b2": b2, "Wl": Wl, "bl": bl}


def _gcn_norm(edge_index, n_nodes):
    # add self loops (PyG GCNConv default: add_self_loops=True, normalize=True)
    loop = jnp.arange(n_nodes, dtype=edge_index.dtype)
    src = jnp.concatenate([edge_index[0], loop])
    dst = jnp.concatenate([edge_index[1], loop])
    deg = jnp.zeros((n_nodes,), dtype=jnp.float32).at[dst].add(1.0)
    deg_inv_sqrt = jnp.where(deg > 0, 1.0 / jnp.sqrt(deg), 0.0)
    norm = deg_inv_sqrt[src] * deg_inv_sqrt[dst]
    return src, dst, norm


def _gcn_conv(x, src, dst, norm, W, b, n_nodes):
    h = x @ W
    msg = h[src] * norm[:, None]
    out = jnp.zeros((n_nodes, h.shape[1]), dtype=h.dtype).at[dst].add(msg)
    return out + b


def reference(x, edge_index, W1, b1, W2, b2, Wl, bl):
    src, dst, norm = _gcn_norm(edge_index, N)
    h = _gcn_conv(x, src, dst, norm, W1, b1, N)
    h = jax.nn.relu(h)
    # dropout is identity in eval mode (training=False)
    emb = _gcn_conv(h, src, dst, norm, W2, b2, N)
    logits = emb @ Wl + bl
    return jax.nn.log_softmax(logits, axis=-1)

if __name__ == "__main__":
    import jax
    _d = setup_inputs()
    print(jax.jit(kernel)(*tuple(_d.values())))

</pallas_src>

<mosaic_0001>
#map = affine_map<(d0, d1) -> (0, 0)>
#map1 = affine_map<(d0, d1) -> (0, 0, 0)>
module attributes {stable_mosaic.version = 14 : i64} {
  func.func @degk(%arg0: i32, %arg1: i32, %arg2: memref<2560x128xi32, #tpu.memory_space<hbm>>, %arg3: memref<128x16xf32, #tpu.memory_space<hbm>>, %arg4: memref<640x16xf32, #tpu.memory_space<hbm>>, %arg5: memref<2x10240x16xf32, #tpu.memory_space<hbm>>, %arg6: memref<80x128xi32, #tpu.memory_space<vmem>>, %arg7: memref<128x16xf32, #tpu.memory_space<vmem>>, %arg8: memref<10240x16xf32, #tpu.memory_space<vmem_shared>>) attributes {dimension_semantics = [#tpu.dimension_semantics<core_parallel>, #tpu.dimension_semantics<subcore_parallel>], iteration_bounds = array<i64: 2, 16>, scalar_prefetch = 0 : i64, scratch_operands = 3 : i64, tpu.core_type = #tpu.core_type<sc_vector_subcore>, window_params = [{transform_indices = #map}, {transform_indices = #map}, {transform_indices = #map}, {transform_indices = #map1}]} {
    "tpu.region"() ({
      %run_scoped3A = tpu.sem_alloc : memref<!tpu.dma_semaphore, #tpu.memory_space<semaphore_mem>>
      tpu.enqueue_dma source(%arg3 : memref<128x16xf32, #tpu.memory_space<hbm>>) target(%arg7 : memref<128x16xf32, #tpu.memory_space<vmem>>) target_semaphore(%run_scoped3A : memref<!tpu.dma_semaphore, #tpu.memory_space<semaphore_mem>>)
      tpu.wait_dma2 semaphore(%run_scoped3A : memref<!tpu.dma_semaphore, #tpu.memory_space<semaphore_mem>>) src(%arg3 : memref<128x16xf32, #tpu.memory_space<hbm>>) dst(%arg7 : memref<128x16xf32, #tpu.memory_space<vmem>>)
      tpu.yield
    }) : () -> ()
    %mul3A = arith.constant 640 : i32
    %mul3A_0 = arith.muli %arg1, %mul3A : i32
    "tpu.region"() ({
      %run_scoped3A = tpu.sem_alloc : memref<!tpu.dma_semaphore, #tpu.memory_space<semaphore_mem>>
      %dma_start3A = arith.constant 0 : i32
      %dma_start3A_14 = tpu.memref_slice %arg8[%mul3A_0, %dma_start3A] : memref<10240x16xf32, #tpu.memory_space<vmem_shared>> -> memref<640x16xf32, #tpu.memory_space<vmem_shared>>
      tpu.enqueue_dma source(%arg4 : memref<640x16xf32, #tpu.memory_space<hbm>>) target(%dma_start3A_14 : memref<640x16xf32, #tpu.memory_space<vmem_shared>>) target_semaphore(%run_scoped3A : memref<!tpu.dma_semaphore, #tpu.memory_space<semaphore_mem>>)
      %dma_wait3A = arith.constant 0 : i32
      %dma_wait3A_15 = tpu.memref_slice %arg8[%mul3A_0, %dma_wait3A] : memref<10240x16xf32, #tpu.memory_space<vmem_shared>> -> memref<640x16xf32, #tpu.memory_space<vmem_shared>>
      tpu.wait_dma2 semaphore(%run_scoped3A : memref<!tpu.dma_semaphore, #tpu.memory_space<semaphore_mem>>) src(%arg4 : memref<640x16xf32, #tpu.memory_space<hbm>>) dst(%dma_wait3A_15 : memref<640x16xf32, #tpu.memory_space<vmem_shared>>)
      tpu.yield
    }) : () -> ()
    %barrier3A = arith.constant 0 : index
    tpu.barrier barrier_id(%barrier3A)
    %mul3A_1 = arith.constant 16 : i32
    %mul3A_2 = arith.muli %arg0, %mul3A_1 : i32
    %add3A = arith.addi %mul3A_2, %arg1 : i32
    %mul3A_3 = arith.constant 80 : i32
    %mul3A_4 = arith.muli %add3A, %mul3A_3 : i32
    "tpu.region"() ({
      %run_scoped3A = tpu.sem_alloc : memref<!tpu.dma_semaphore, #tpu.memory_space<semaphore_mem>>
      %dma_start3A = arith.constant 0 : i32
      %dma_start3A_14 = tpu.memref_slice %arg2[%mul3A_4, %dma_start3A] : memref<2560x128xi32, #tpu.memory_space<hbm>> -> memref<80x128xi32, #tpu.memory_space<hbm>>
      %dma_start3A_15 = arith.constant 0 : i32
      %dma_start3A_16 = tpu.memref_slice %arg2[%mul3A_4, %dma_start3A_15] : memref<2560x128xi32, #tpu.memory_space<hbm>> -> memref<80x128xi32, #tpu.memory_space<hbm>>
      tpu.enqueue_dma source(%dma_start3A_16 : memref<80x128xi32, #tpu.memory_space<hbm>>) target(%arg6 : memref<80x128xi32, #tpu.memory_space<vmem>>) target_semaphore(%run_scoped3A : memref<!tpu.dma_semaphore, #tpu.memory_space<semaphore_mem>>)
      %dma_wait3A = arith.constant 0 : i32
      %dma_wait3A_17 = tpu.memref_slice %arg2[%mul3A_4, %dma_wait3A] : memref<2560x128xi32, #tpu.memory_space<hbm>> -> memref<80x128xi32, #tpu.memory_space<hbm>>
      %dma_wait3A_18 = arith.constant 0 : i32
      %dma_wait3A_19 = tpu.memref_slice %arg2[%mul3A_4, %dma_wait3A_18] : memref<2560x128xi32, #tpu.memory_space<hbm>> -> memref<80x128xi32, #tpu.memory_space<hbm>>
      tpu.wait_dma2 semaphore(%run_scoped3A : memref<!tpu.dma_semaphore, #tpu.memory_space<semaphore_mem>>) src(%dma_wait3A_19 : memref<80x128xi32, #tpu.memory_space<hbm>>) dst(%arg6 : memref<80x128xi32, #tpu.memory_space<vmem>>)
      tpu.yield
    }) : () -> ()
    %scan3A = arith.constant 0 : i32
    %scan3A_5 = arith.constant 80 : i32
    %scan3A_6 = arith.addi %scan3A, %scan3A_5 : i32
    %scan3A_7 = arith.constant 1 : i32
    scf.for %scan3A_14 = %scan3A to %scan3A_6 step %scan3A_7  : i32 {
      %mul3A_15 = arith.constant 1 : i32
      %mul3A_16 = arith.muli %scan3A_14, %mul3A_15 : i32
      %add3A_17 = arith.constant 0 : i32
      %add3A_18 = arith.addi %add3A_17, %mul3A_16 : i32
      "tpu.region"() ({
        %run_scoped3A = tpu.sem_alloc : memref<!tpu.dma_semaphore, #tpu.memory_space<semaphore_mem>>
        %dma_start3A = arith.constant 0 : i32
        %dma_start3A_19 = tpu.memref_slice %arg6[%add3A_18, %dma_start3A] : memref<80x128xi32, #tpu.memory_space<vmem>> -> memref<1x128xi32, #tpu.memory_space<vmem>>
        %dma_start3A_20 = tpu.memref_squeeze %dma_start3A_19 : memref<1x128xi32, #tpu.memory_space<vmem>> -> memref<128xi32, #tpu.memory_space<vmem>>
        %dma_start3A_21 = arith.constant 0 : i32
        %dma_start3A_22 = arith.constant 0 : i32
        %dma_start3A_23 = tpu.memref_slice %arg8[%dma_start3A_21, %dma_start3A_22] : memref<10240x16xf32, #tpu.memory_space<vmem_shared>> -> memref<10240x16xf32, #tpu.memory_space<vmem_shared>>
        tpu.enqueue_indirect_dma source(%arg7 : memref<128x16xf32, #tpu.memory_space<vmem>>) target(%dma_start3A_23 : memref<10240x16xf32, #tpu.memory_space<vmem_shared>>) offsets(%dma_start3A_20 : memref<128xi32, #tpu.memory_space<vmem>>) semaphore(%run_scoped3A : memref<!tpu.dma_semaphore, #tpu.memory_space<semaphore_mem>>) {add = true}
        %dma_wait3A = arith.constant 0 : i32
        %dma_wait3A_24 = tpu.memref_slice %arg6[%add3A_18, %dma_wait3A] : memref<80x128xi32, #tpu.memory_space<vmem>> -> memref<1x128xi32, #tpu.memory_space<vmem>>
        %dma_wait3A_25 = tpu.memref_squeeze %dma_wait3A_24 : memref<1x128xi32, #tpu.memory_space<vmem>> -> memref<128xi32, #tpu.memory_space<vmem>>
        %dma_wait3A_26 = arith.constant 0 : i32
        %dma_wait3A_27 = arith.constant 0 : i32
        %dma_wait3A_28 = tpu.memref_slice %arg8[%dma_wait3A_26, %dma_wait3A_27] : memref<10240x16xf32, #tpu.memory_space<vmem_shared>> -> memref<10240x16xf32, #tpu.memory_space<vmem_shared>>
        tpu.wait_indirect_dma semaphore(%run_scoped3A : memref<!tpu.dma_semaphore, #tpu.memory_space<semaphore_mem>>) src(%arg7 : memref<128x16xf32, #tpu.memory_space<vmem>>) dst(%dma_wait3A_28 : memref<10240x16xf32, #tpu.memory_space<vmem_shared>>)
        tpu.yield
      }) : () -> ()
    }
    %scan3A_8 = arith.constant 80 : i32
    %barrier3A_9 = arith.constant 0 : index
    tpu.barrier barrier_id(%barrier3A_9)
    %mul3A_10 = arith.constant 640 : i32
    %mul3A_11 = arith.muli %arg1, %mul3A_10 : i32
    %mul3A_12 = arith.constant 640 : i32
    %mul3A_13 = arith.muli %arg1, %mul3A_12 : i32
    "tpu.region"() ({
      %run_scoped3A = tpu.sem_alloc : memref<!tpu.dma_semaphore, #tpu.memory_space<semaphore_mem>>
      %dma_start3A = arith.constant 0 : i32
      %dma_start3A_14 = tpu.memref_slice %arg5[%arg0, %mul3A_13, %dma_start3A] : memref<2x10240x16xf32, #tpu.memory_space<hbm>> -> memref<1x640x16xf32, #tpu.memory_space<hbm>>
      %dma_start3A_15 = tpu.memref_squeeze %dma_start3A_14 : memref<1x640x16xf32, #tpu.memory_space<hbm>> -> memref<640x16xf32, #tpu.memory_space<hbm>>
      %dma_start3A_16 = arith.constant 0 : i32
      %dma_start3A_17 = tpu.memref_slice %arg8[%mul3A_11, %dma_start3A_16] : memref<10240x16xf32, #tpu.memory_space<vmem_shared>> -> memref<640x16xf32, #tpu.memory_space<vmem_shared>>
      tpu.enqueue_dma source(%dma_start3A_17 : memref<640x16xf32, #tpu.memory_space<vmem_shared>>) target(%dma_start3A_15 : memref<640x16xf32, #tpu.memory_space<hbm>>) target_semaphore(%run_scoped3A : memref<!tpu.dma_semaphore, #tpu.memory_space<semaphore_mem>>)
      %dma_wait3A = arith.constant 0 : i32
      %dma_wait3A_18 = tpu.memref_slice %arg5[%arg0, %mul3A_13, %dma_wait3A] : memref<2x10240x16xf32, #tpu.memory_space<hbm>> -> memref<1x640x16xf32, #tpu.memory_space<hbm>>
      %dma_wait3A_19 = tpu.memref_squeeze %dma_wait3A_18 : memref<1x640x16xf32, #tpu.memory_space<hbm>> -> memref<640x16xf32, #tpu.memory_space<hbm>>
      %dma_wait3A_20 = arith.constant 0 : i32
      %dma_wait3A_21 = tpu.memref_slice %arg8[%mul3A_11, %dma_wait3A_20] : memref<10240x16xf32, #tpu.memory_space<vmem_shared>> -> memref<640x16xf32, #tpu.memory_space<vmem_shared>>
      tpu.wait_dma2 semaphore(%run_scoped3A : memref<!tpu.dma_semaphore, #tpu.memory_space<semaphore_mem>>) src(%dma_wait3A_21 : memref<640x16xf32, #tpu.memory_space<vmem_shared>>) dst(%dma_wait3A_19 : memref<640x16xf32, #tpu.memory_space<hbm>>)
      tpu.yield
    }) : () -> ()
    return
  }
}

#map = affine_map<(d0, d1) -> (0, 0)>
#map1 = affine_map<(d0, d1) -> (0, 0, 0)>
module attributes {stable_mosaic.version = 14 : i64} {
  func.func @segk(%arg0: i32, %arg1: i32, %arg2: memref<10000x64xbf16, #tpu.memory_space<hbm>>, %arg3: memref<2560x128xi32, #tpu.memory_space<hbm>>, %arg4: memref<2560x128xi32, #tpu.memory_space<hbm>>, %arg5: memref<640x64xbf16, #tpu.memory_space<hbm>>, %arg6: memref<2x10240x64xbf16, #tpu.memory_space<hbm>>, %arg7: memref<40x128xi32, #tpu.memory_space<vmem>>, %arg8: memref<40x128xi32, #tpu.memory_space<vmem>>, %arg9: memref<2x128x64xbf16, #tpu.memory_space<vmem>>, %arg10: memref<10240x64xbf16, #tpu.memory_space<vmem_shared>>, %arg11: memref<!tpu.dma_semaphore, #tpu.memory_space<semaphore_mem>>, %arg12: memref<!tpu.dma_semaphore, #tpu.memory_space<semaphore_mem>>) attributes {dimension_semantics = [#tpu.dimension_semantics<core_parallel>, #tpu.dimension_semantics<subcore_parallel>], iteration_bounds = array<i64: 2, 16>, scalar_prefetch = 0 : i64, scratch_operands = 6 : i64, tpu.core_type = #tpu.core_type<sc_vector_subcore>, window_params = [{transform_indices = #map}, {transform_indices = #map}, {transform_indices = #map}, {transform_indices = #map}, {transform_indices = #map1}]} {
    %mul3A = arith.constant 640 : i32
    %mul3A_0 = arith.muli %arg1, %mul3A : i32
    "tpu.region"() ({
      %run_scoped3A = tpu.sem_alloc : memref<!tpu.dma_semaphore, #tpu.memory_space<semaphore_mem>>
      %dma_start3A_50 = arith.constant 0 : i32
      %dma_start3A_51 = tpu.memref_slice %arg10[%mul3A_0, %dma_start3A_50] : memref<10240x64xbf16, #tpu.memory_space<vmem_shared>> -> memref<640x64xbf16, #tpu.memory_space<vmem_shared>>
      tpu.enqueue_dma source(%arg5 : memref<640x64xbf16, #tpu.memory_space<hbm>>) target(%dma_start3A_51 : memref<640x64xbf16, #tpu.memory_space<vmem_shared>>) target_semaphore(%run_scoped3A : memref<!tpu.dma_semaphore, #tpu.memory_space<semaphore_mem>>)
      %dma_wait3A = arith.constant 0 : i32
      %dma_wait3A_52 = tpu.memref_slice %arg10[%mul3A_0, %dma_wait3A] : memref<10240x64xbf16, #tpu.memory_space<vmem_shared>> -> memref<640x64xbf16, #tpu.memory_space<vmem_shared>>
      tpu.wait_dma2 semaphore(%run_scoped3A : memref<!tpu.dma_semaphore, #tpu.memory_space<semaphore_mem>>) src(%arg5 : memref<640x64xbf16, #tpu.memory_space<hbm>>) dst(%dma_wait3A_52 : memref<640x64xbf16, #tpu.memory_space<vmem_shared>>)
      tpu.yield
    }) : () -> ()
    %barrier3A = arith.constant 0 : index
    tpu.barrier barrier_id(%barrier3A)
    %mul3A_1 = arith.constant 16 : i32
    %mul3A_2 = arith.muli %arg0, %mul3A_1 : i32
    %add3A = arith.addi %mul3A_2, %arg1 : i32
    %mul3A_3 = arith.constant 80 : i32
    %mul3A_4 = arith.muli %add3A, %mul3A_3 : i32
    %add3A_5 = arith.constant 0 : i32
    %add3A_6 = arith.addi %mul3A_4, %add3A_5 : i32
    "tpu.region"() ({
      %run_scoped3A = tpu.sem_alloc : memref<!tpu.dma_semaphore, #tpu.memory_space<semaphore_mem>>
      %dma_start3A_50 = arith.constant 0 : i32
      %dma_start3A_51 = tpu.memref_slice %arg3[%add3A_6, %dma_start3A_50] : memref<2560x128xi32, #tpu.memory_space<hbm>> -> memref<40x128xi32, #tpu.memory_space<hbm>>
      %dma_start3A_52 = arith.constant 0 : i32
      %dma_start3A_53 = tpu.memref_slice %arg3[%add3A_6, %dma_start3A_52] : memref<2560x128xi32, #tpu.memory_space<hbm>> -> memref<40x128xi32, #tpu.memory_space<hbm>>
      tpu.enqueue_dma source(%dma_start3A_53 : memref<40x128xi32, #tpu.memory_space<hbm>>) target(%arg7 : memref<40x128xi32, #tpu.memory_space<vmem>>) target_semaphore(%run_scoped3A : memref<!tpu.dma_semaphore, #tpu.memory_space<semaphore_mem>>)
      %dma_wait3A = arith.constant 0 : i32
      %dma_wait3A_54 = tpu.memref_slice %arg3[%add3A_6, %dma_wait3A] : memref<2560x128xi32, #tpu.memory_space<hbm>> -> memref<40x128xi32, #tpu.memory_space<hbm>>
      %dma_wait3A_55 = arith.constant 0 : i32
      %dma_wait3A_56 = tpu.memref_slice %arg3[%add3A_6, %dma_wait3A_55] : memref<2560x128xi32, #tpu.memory_space<hbm>> -> memref<40x128xi32, #tpu.memory_space<hbm>>
      tpu.wait_dma2 semaphore(%run_scoped3A : memref<!tpu.dma_semaphore, #tpu.memory_space<semaphore_mem>>) src(%dma_wait3A_56 : memref<40x128xi32, #tpu.memory_space<hbm>>) dst(%arg7 : memref<40x128xi32, #tpu.memory_space<vmem>>)
      tpu.yield
    }) : () -> ()
    %add3A_7 = arith.constant 0 : i32
    %add3A_8 = arith.addi %mul3A_4, %add3A_7 : i32
    "tpu.region"() ({
      %run_scoped3A = tpu.sem_alloc : memref<!tpu.dma_semaphore, #tpu.memory_space<semaphore_mem>>
      %dma_start3A_50 = arith.constant 0 : i32
      %dma_start3A_51 = tpu.memref_slice %arg4[%add3A_8, %dma_start3A_50] : memref<2560x128xi32, #tpu.memory_space<hbm>> -> memref<40x128xi32, #tpu.memory_space<hbm>>
      %dma_start3A_52 = arith.constant 0 : i32
      %dma_start3A_53 = tpu.memref_slice %arg4[%add3A_8, %dma_start3A_52] : memref<2560x128xi32, #tpu.memory_space<hbm>> -> memref<40x128xi32, #tpu.memory_space<hbm>>
      tpu.enqueue_dma source(%dma_start3A_53 : memref<40x128xi32, #tpu.memory_space<hbm>>) target(%arg8 : memref<40x128xi32, #tpu.memory_space<vmem>>) target_semaphore(%run_scoped3A : memref<!tpu.dma_semaphore, #tpu.memory_space<semaphore_mem>>)
      %dma_wait3A = arith.constant 0 : i32
      %dma_wait3A_54 = tpu.memref_slice %arg4[%add3A_8, %dma_wait3A] : memref<2560x128xi32, #tpu.memory_space<hbm>> -> memref<40x128xi32, #tpu.memory_space<hbm>>
      %dma_wait3A_55 = arith.constant 0 : i32
      %dma_wait3A_56 = tpu.memref_slice %arg4[%add3A_8, %dma_wait3A_55] : memref<2560x128xi32, #tpu.memory_space<hbm>> -> memref<40x128xi32, #tpu.memory_space<hbm>>
      tpu.wait_dma2 semaphore(%run_scoped3A : memref<!tpu.dma_semaphore, #tpu.memory_space<semaphore_mem>>) src(%dma_wait3A_56 : memref<40x128xi32, #tpu.memory_space<hbm>>) dst(%arg8 : memref<40x128xi32, #tpu.memory_space<vmem>>)
      tpu.yield
    }) : () -> ()
    %dma_start3A = arith.constant 0 : i32
    %dma_start3A_9 = arith.constant 0 : i32
    %dma_start3A_10 = arith.constant 0 : i32
    %dma_start3A_11 = arith.constant 0 : i32
    %dma_start3A_12 = tpu.memref_slice %arg9[%dma_start3A_9, %dma_start3A_10, %dma_start3A_11] : memref<2x128x64xbf16, #tpu.memory_space<vmem>> -> memref<1x128x64xbf16, #tpu.memory_space<vmem>>
    %dma_start3A_13 = tpu.memref_squeeze %dma_start3A_12 : memref<1x128x64xbf16, #tpu.memory_space<vmem>> -> memref<128x64xbf16, #tpu.memory_space<vmem>>
    %dma_start3A_14 = arith.constant 0 : i32
    %dma_start3A_15 = tpu.memref_slice %arg7[%dma_start3A, %dma_start3A_14] : memref<40x128xi32, #tpu.memory_space<vmem>> -> memref<1x128xi32, #tpu.memory_space<vmem>>
    %dma_start3A_16 = tpu.memref_squeeze %dma_start3A_15 : memref<1x128xi32, #tpu.memory_space<vmem>> -> memref<128xi32, #tpu.memory_space<vmem>>
    %dma_start3A_17 = arith.constant 0 : i32
    %dma_start3A_18 = arith.constant 0 : i32
    %dma_start3A_19 = tpu.memref_slice %arg2[%dma_start3A_17, %dma_start3A_18] : memref<10000x64xbf16, #tpu.memory_space<hbm>> -> memref<10000x64xbf16, #tpu.memory_space<hbm>>
    tpu.enqueue_indirect_dma source(%dma_start3A_19 : memref<10000x64xbf16, #tpu.memory_space<hbm>>) target(%dma_start3A_13 : memref<128x64xbf16, #tpu.memory_space<vmem>>) offsets(%dma_start3A_16 : memref<128xi32, #tpu.memory_space<vmem>>) semaphore(%arg11 : memref<!tpu.dma_semaphore, #tpu.memory_space<semaphore_mem>>)
    %scan3A = arith.constant 0 : i32
    %scan3A_20 = arith.constant 20 : i32
    %scan3A_21 = arith.addi %scan3A, %scan3A_20 : i32
    %scan3A_22 = arith.constant 1 : i32
    scf.for %scan3A_50 = %scan3A to %scan3A_21 step %scan3A_22  : i32 {
      %mul3A_51 = arith.constant 1 : i32
      %mul3A_52 = arith.muli %scan3A_50, %mul3A_51 : i32
      %add3A_53 = arith.constant 0 : i32
      %add3A_54 = arith.addi %add3A_53, %mul3A_52 : i32
      %mul3A_55 = arith.constant 2 : i32
      %mul3A_56 = arith.muli %mul3A_55, %add3A_54 : i32
      %add3A_57 = arith.constant 1 : i32
      %add3A_58 = arith.addi %mul3A_56, %add3A_57 : i32
      %dma_start3A_59 = arith.constant 1 : i32
      %dma_start3A_60 = arith.constant 0 : i32
      %dma_start3A_61 = arith.constant 0 : i32
      %dma_start3A_62 = tpu.memref_slice %arg9[%dma_start3A_59, %dma_start3A_60, %dma_start3A_61] : memref<2x128x64xbf16, #tpu.memory_space<vmem>> -> memref<1x128x64xbf16, #tpu.memory_space<vmem>>
      %dma_start3A_63 = tpu.memref_squeeze %dma_start3A_62 : memref<1x128x64xbf16, #tpu.memory_space<vmem>> -> memref<128x64xbf16, #tpu.memory_space<vmem>>
      %dma_start3A_64 = arith.constant 0 : i32
      %dma_start3A_65 = tpu.memref_slice %arg7[%add3A_58, %dma_start3A_64] : memref<40x128xi32, #tpu.memory_space<vmem>> -> memref<1x128xi32, #tpu.memory_space<vmem>>
      %dma_start3A_66 = tpu.memref_squeeze %dma_start3A_65 : memref<1x128xi32, #tpu.memory_space<vmem>> -> memref<128xi32, #tpu.memory_space<vmem>>
      %dma_start3A_67 = arith.constant 0 : i32
      %dma_start3A_68 = arith.constant 0 : i32
      %dma_start3A_69 = tpu.memref_slice %arg2[%dma_start3A_67, %dma_start3A_68] : memref<10000x64xbf16, #tpu.memory_space<hbm>> -> memref<10000x64xbf16, #tpu.memory_space<hbm>>
      tpu.enqueue_indirect_dma source(%dma_start3A_69 : memref<10000x64xbf16, #tpu.memory_space<hbm>>) target(%dma_start3A_63 : memref<128x64xbf16, #tpu.memory_space<vmem>>) offsets(%dma_start3A_66 : memref<128xi32, #tpu.memory_space<vmem>>) semaphore(%arg12 : memref<!tpu.dma_semaphore, #tpu.memory_space<semaphore_mem>>)
      %dma_wait3A = arith.constant 0 : i32
      %dma_wait3A_70 = arith.constant 0 : i32
      %dma_wait3A_71 = arith.constant 0 : i32
      %dma_wait3A_72 = tpu.memref_slice %arg9[%dma_wait3A, %dma_wait3A_70, %dma_wait3A_71] : memref<2x128x64xbf16, #tpu.memory_space<vmem>> -> memref<1x128x64xbf16, #tpu.memory_space<vmem>>
      %dma_wait3A_73 = tpu.memref_squeeze %dma_wait3A_72 : memref<1x128x64xbf16, #tpu.memory_space<vmem>> -> memref<128x64xbf16, #tpu.memory_space<vmem>>
      %dma_wait3A_74 = arith.constant 0 : i32
      %dma_wait3A_75 = tpu.memref_slice %arg7[%mul3A_56, %dma_wait3A_74] : memref<40x128xi32, #tpu.memory_space<vmem>> -> memref<1x128xi32, #tpu.memory_space<vmem>>
      %dma_wait3A_76 = tpu.memref_squeeze %dma_wait3A_75 : memref<1x128xi32, #tpu.memory_space<vmem>> -> memref<128xi32, #tpu.memory_space<vmem>>
      %dma_wait3A_77 = arith.constant 0 : i32
      %dma_wait3A_78 = arith.constant 0 : i32
      %dma_wait3A_79 = tpu.memref_slice %arg2[%dma_wait3A_77, %dma_wait3A_78] : memref<10000x64xbf16, #tpu.memory_space<hbm>> -> memref<10000x64xbf16, #tpu.memory_space<hbm>>
      tpu.wait_indirect_dma semaphore(%arg11 : memref<!tpu.dma_semaphore, #tpu.memory_space<semaphore_mem>>) src(%dma_wait3A_79 : memref<10000x64xbf16, #tpu.memory_space<hbm>>) dst(%dma_wait3A_73 : memref<128x64xbf16, #tpu.memory_space<vmem>>)
      %run_scoped3A = arith.constant 0 : i32
      "tpu.region"() ({
        %run_scoped3A_98 = tpu.sem_alloc : memref<!tpu.dma_semaphore, #tpu.memory_space<semaphore_mem>>
        %dma_start3A_99 = arith.constant 0 : i32
        %dma_start3A_100 = arith.constant 0 : i32
        %dma_start3A_101 = tpu.memref_slice %arg9[%run_scoped3A, %dma_start3A_99, %dma_start3A_100] : memref<2x128x64xbf16, #tpu.memory_space<vmem>> -> memref<1x128x64xbf16, #tpu.memory_space<vmem>>
        %dma_start3A_102 = tpu.memref_squeeze %dma_start3A_101 : memref<1x128x64xbf16, #tpu.memory_space<vmem>> -> memref<128x64xbf16, #tpu.memory_space<vmem>>
        %dma_start3A_103 = arith.constant 0 : i32
        %dma_start3A_104 = tpu.memref_slice %arg8[%mul3A_56, %dma_start3A_103] : memref<40x128xi32, #tpu.memory_space<vmem>> -> memref<1x128xi32, #tpu.memory_space<vmem>>
        %dma_start3A_105 = tpu.memref_squeeze %dma_start3A_104 : memref<1x128xi32, #tpu.memory_space<vmem>> -> memref<128xi32, #tpu.memory_space<vmem>>
        %dma_start3A_106 = arith.constant 0 : i32
        %dma_start3A_107 = arith.constant 0 : i32
        %dma_start3A_108 = tpu.memref_slice %arg10[%dma_start3A_106, %dma_start3A_107] : memref<10240x64xbf16, #tpu.memory_space<vmem_shared>> -> memref<10240x64xbf16, #tpu.memory_space<vmem_shared>>
        tpu.enqueue_indirect_dma source(%dma_start3A_102 : memref<128x64xbf16, #tpu.memory_space<vmem>>) target(%dma_start3A_108 : memref<10240x64xbf16, #tpu.memory_space<vmem_shared>>) offsets(%dma_start3A_105 : memref<128xi32, #tpu.memory_space<vmem>>) semaphore(%run_scoped3A_98 : memref<!tpu.dma_semaphore, #tpu.memory_space<semaphore_mem>>) {add = true}
        %dma_wait3A_109 = arith.constant 0 : i32
        %dma_wait3A_110 = arith.constant 0 : i32
        %dma_wait3A_111 = tpu.memref_slice %arg9[%run_scoped3A, %dma_wait3A_109, %dma_wait3A_110] : memref<2x128x64xbf16, #tpu.memory_space<vmem>> -> memref<1x128x64xbf16, #tpu.memory_space<vmem>>
        %dma_wait3A_112 = tpu.memref_squeeze %dma_wait3A_111 : memref<1x128x64xbf16, #tpu.memory_space<vmem>> -> memref<128x64xbf16, #tpu.memory_space<vmem>>
        %dma_wait3A_113 = arith.constant 0 : i32
        %dma_wait3A_114 = tpu.memref_slice %arg8[%mul3A_56, %dma_wait3A_113] : memref<40x128xi32, #tpu.memory_space<vmem>> -> memref<1x128xi32, #tpu.memory_space<vmem>>
        %dma_wait3A_115 = tpu.memref_squeeze %dma_wait3A_114 : memref<1x128xi32, #tpu.memory_space<vmem>> -> memref<128xi32, #tpu.memory_space<vmem>>
        %dma_wait3A_116 = arith.constant 0 : i32
        %dma_wait3A_117 = arith.constant 0 : i32
        %dma_wait3A_118 = tpu.memref_slice %arg10[%dma_wait3A_116, %dma_wait3A_117] : memref<10240x64xbf16, #tpu.memory_space<vmem_shared>> -> memref<10240x64xbf16, #tpu.memory_space<vmem_shared>>
        tpu.wait_indirect_dma semaphore(%run_scoped3A_98 : memref<!tpu.dma_semaphore, #tpu.memory_space<semaphore_mem>>) src(%dma_wait3A_112 : memref<128x64xbf16, #tpu.memory_space<vmem>>) dst(%dma_wait3A_118 : memref<10240x64xbf16, #tpu.memory_space<vmem_shared>>)
        tpu.yield
      }) : () -> ()
      %lt3A = arith.constant 19 : i32
      %lt3A_80 = arith.cmpi slt, %add3A_54, %lt3A : i32
      %convert_element_type3A = arith.extui %lt3A_80 : i1 to i32
      %cond3A = arith.constant 0 : i32
      %cond3A_81 = arith.cmpi ne, %convert_element_type3A, %cond3A : i32
      scf.if %cond3A_81 {
        %add3A_98 = arith.constant 2 : i32
        %add3A_99 = arith.addi %mul3A_56, %add3A_98 : i32
        %dma_start3A_100 = arith.constant 0 : i32
        %dma_start3A_101 = arith.constant 0 : i32
        %dma_start3A_102 = arith.constant 0 : i32
        %dma_start3A_103 = tpu.memref_slice %arg9[%dma_start3A_100, %dma_start3A_101, %dma_start3A_102] : memref<2x128x64xbf16, #tpu.memory_space<vmem>> -> memref<1x128x64xbf16, #tpu.memory_space<vmem>>
        %dma_start3A_104 = tpu.memref_squeeze %dma_start3A_103 : memref<1x128x64xbf16, #tpu.memory_space<vmem>> -> memref<128x64xbf16, #tpu.memory_space<vmem>>
        %dma_start3A_105 = arith.constant 0 : i32
        %dma_start3A_106 = tpu.memref_slice %arg7[%add3A_99, %dma_start3A_105] : memref<40x128xi32, #tpu.memory_space<vmem>> -> memref<1x128xi32, #tpu.memory_space<vmem>>
        %dma_start3A_107 = tpu.memref_squeeze %dma_start3A_106 : memref<1x128xi32, #tpu.memory_space<vmem>> -> memref<128xi32, #tpu.memory_space<vmem>>
        %dma_start3A_108 = arith.constant 0 : i32
        %dma_start3A_109 = arith.constant 0 : i32
        %dma_start3A_110 = tpu.memref_slice %arg2[%dma_start3A_108, %dma_start3A_109] : memref<10000x64xbf16, #tpu.memory_space<hbm>> -> memref<10000x64xbf16, #tpu.memory_space<hbm>>
        tpu.enqueue_indirect_dma source(%dma_start3A_110 : memref<10000x64xbf16, #tpu.memory_space<hbm>>) target(%dma_start3A_104 : memref<128x64xbf16, #tpu.memory_space<vmem>>) offsets(%dma_start3A_107 : memref<128xi32, #tpu.memory_space<vmem>>) semaphore(%arg11 : memref<!tpu.dma_semaphore, #tpu.memory_space<semaphore_mem>>)
      } else {
      }
      %add3A_82 = arith.constant 1 : i32
      %add3A_83 = arith.addi %mul3A_56, %add3A_82 : i32
      %dma_wait3A_84 = arith.constant 1 : i32
      %dma_wait3A_85 = arith.constant 0 : i32
      %dma_wait3A_86 = arith.constant 0 : i32
      %dma_wait3A_87 = tpu.memref_slice %arg9[%dma_wait3A_84, %dma_wait3A_85, %dma_wait3A_86] : memref<2x128x64xbf16, #tpu.memory_space<vmem>> -> memref<1x128x64xbf16, #tpu.memory_space<vmem>>
      %dma_wait3A_88 = tpu.memref_squeeze %dma_wait3A_87 : memref<1x128x64xbf16, #tpu.memory_space<vmem>> -> memref<128x64xbf16, #tpu.memory_space<vmem>>
      %dma_wait3A_89 = arith.constant 0 : i32
      %dma_wait3A_90 = tpu.memref_slice %arg7[%add3A_83, %dma_wait3A_89] : memref<40x128xi32, #tpu.memory_space<vmem>> -> memref<1x128xi32, #tpu.memory_space<vmem>>
      %dma_wait3A_91 = tpu.memref_squeeze %dma_wait3A_90 : memref<1x128xi32, #tpu.memory_space<vmem>> -> memref<128xi32, #tpu.memory_space<vmem>>
      %dma_wait3A_92 = arith.constant 0 : i32
      %dma_wait3A_93 = arith.constant 0 : i32
      %dma_wait3A_94 = tpu.memref_slice %arg2[%dma_wait3A_92, %dma_wait3A_93] : memref<10000x64xbf16, #tpu.memory_space<hbm>> -> memref<10000x64xbf16, #tpu.memory_space<hbm>>
      tpu.wait_indirect_dma semaphore(%arg12 : memref<!tpu.dma_semaphore, #tpu.memory_space<semaphore_mem>>) src(%dma_wait3A_94 : memref<10000x64xbf16, #tpu.memory_space<hbm>>) dst(%dma_wait3A_88 : memref<128x64xbf16, #tpu.memory_space<vmem>>)
      %add3A_95 = arith.constant 1 : i32
      %add3A_96 = arith.addi %mul3A_56, %add3A_95 : i32
      %run_scoped3A_97 = arith.constant 1 : i32
      "tpu.region"() ({
        %run_scoped3A_98 = tpu.sem_alloc : memref<!tpu.dma_semaphore, #tpu.memory_space<semaphore_mem>>
        %dma_start3A_99 = arith.constant 0 : i32
        %dma_start3A_100 = arith.constant 0 : i32
        %dma_start3A_101 = tpu.memref_slice %arg9[%run_scoped3A_97, %dma_start3A_99, %dma_start3A_100] : memref<2x128x64xbf16, #tpu.memory_space<vmem>> -> memref<1x128x64xbf16, #tpu.memory_space<vmem>>
        %dma_start3A_102 = tpu.memref_squeeze %dma_start3A_101 : memref<1x128x64xbf16, #tpu.memory_space<vmem>> -> memref<128x64xbf16, #tpu.memory_space<vmem>>
        %dma_start3A_103 = arith.constant 0 : i32
        %dma_start3A_104 = tpu.memref_slice %arg8[%add3A_96, %dma_start3A_103] : memref<40x128xi32, #tpu.memory_space<vmem>> -> memref<1x128xi32, #tpu.memory_space<vmem>>
        %dma_start3A_105 = tpu.memref_squeeze %dma_start3A_104 : memref<1x128xi32, #tpu.memory_space<vmem>> -> memref<128xi32, #tpu.memory_space<vmem>>
        %dma_start3A_106 = arith.constant 0 : i32
        %dma_start3A_107 = arith.constant 0 : i32
        %dma_start3A_108 = tpu.memref_slice %arg10[%dma_start3A_106, %dma_start3A_107] : memref<10240x64xbf16, #tpu.memory_space<vmem_shared>> -> memref<10240x64xbf16, #tpu.memory_space<vmem_shared>>
        tpu.enqueue_indirect_dma source(%dma_start3A_102 : memref<128x64xbf16, #tpu.memory_space<vmem>>) target(%dma_start3A_108 : memref<10240x64xbf16, #tpu.memory_space<vmem_shared>>) offsets(%dma_start3A_105 : memref<128xi32, #tpu.memory_space<vmem>>) semaphore(%run_scoped3A_98 : memref<!tpu.dma_semaphore, #tpu.memory_space<semaphore_mem>>) {add = true}
        %dma_wait3A_109 = arith.constant 0 : i32
        %dma_wait3A_110 = arith.constant 0 : i32
        %dma_wait3A_111 = tpu.memref_slice %arg9[%run_scoped3A_97, %dma_wait3A_109, %dma_wait3A_110] : memref<2x128x64xbf16, #tpu.memory_space<vmem>> -> memref<1x128x64xbf16, #tpu.memory_space<vmem>>
        %dma_wait3A_112 = tpu.memref_squeeze %dma_wait3A_111 : memref<1x128x64xbf16, #tpu.memory_space<vmem>> -> memref<128x64xbf16, #tpu.memory_space<vmem>>
        %dma_wait3A_113 = arith.constant 0 : i32
        %dma_wait3A_114 = tpu.memref_slice %arg8[%add3A_96, %dma_wait3A_113] : memref<40x128xi32, #tpu.memory_space<vmem>> -> memref<1x128xi32, #tpu.memory_space<vmem>>
        %dma_wait3A_115 = tpu.memref_squeeze %dma_wait3A_114 : memref<1x128xi32, #tpu.memory_space<vmem>> -> memref<128xi32, #tpu.memory_space<vmem>>
        %dma_wait3A_116 = arith.constant 0 : i32
        %dma_wait3A_117 = arith.constant 0 : i32
        %dma_wait3A_118 = tpu.memref_slice %arg10[%dma_wait3A_116, %dma_wait3A_117] : memref<10240x64xbf16, #tpu.memory_space<vmem_shared>> -> memref<10240x64xbf16, #tpu.memory_space<vmem_shared>>
        tpu.wait_indirect_dma semaphore(%run_scoped3A_98 : memref<!tpu.dma_semaphore, #tpu.memory_space<semaphore_mem>>) src(%dma_wait3A_112 : memref<128x64xbf16, #tpu.memory_space<vmem>>) dst(%dma_wait3A_118 : memref<10240x64xbf16, #tpu.memory_space<vmem_shared>>)
        tpu.yield
      }) : () -> ()
    }
    %scan3A_23 = arith.constant 20 : i32
    %add3A_24 = arith.constant 40 : i32
    %add3A_25 = arith.addi %mul3A_4, %add3A_24 : i32
    "tpu.region"() ({
      %run_scoped3A = tpu.sem_alloc : memref<!tpu.dma_semaphore, #tpu.memory_space<semaphore_mem>>
      %dma_start3A_50 = arith.constant 0 : i32
      %dma_start3A_51 = tpu.memref_slice %arg3[%add3A_25, %dma_start3A_50] : memref<2560x128xi32, #tpu.memory_space<hbm>> -> memref<40x128xi32, #tpu.memory_space<hbm>>
      %dma_start3A_52 = arith.constant 0 : i32
      %dma_start3A_53 = tpu.memref_slice %arg3[%add3A_25, %dma_start3A_52] : memref<2560x128xi32, #tpu.memory_space<hbm>> -> memref<40x128xi32, #tpu.memory_space<hbm>>
      tpu.enqueue_dma source(%dma_start3A_53 : memref<40x128xi32, #tpu.memory_space<hbm>>) target(%arg7 : memref<40x128xi32, #tpu.memory_space<vmem>>) target_semaphore(%run_scoped3A : memref<!tpu.dma_semaphore, #tpu.memory_space<semaphore_mem>>)
      %dma_wait3A = arith.constant 0 : i32
      %dma_wait3A_54 = tpu.memref_slice %arg3[%add3A_25, %dma_wait3A] : memref<2560x128xi32, #tpu.memory_space<hbm>> -> memref<40x128xi32, #tpu.memory_space<hbm>>
      %dma_wait3A_55 = arith.constant 0 : i32
      %dma_wait3A_56 = tpu.memref_slice %arg3[%add3A_25, %dma_wait3A_55] : memref<2560x128xi32, #tpu.memory_space<hbm>> -> memref<40x128xi32, #tpu.memory_space<hbm>>
      tpu.wait_dma2 semaphore(%run_scoped3A : memref<!tpu.dma_semaphore, #tpu.memory_space<semaphore_mem>>) src(%dma_wait3A_56 : memref<40x128xi32, #tpu.memory_space<hbm>>) dst(%arg7 : memref<40x128xi32, #tpu.memory_space<vmem>>)
      tpu.yield
    }) : () -> ()
    %add3A_26 = arith.constant 40 : i32
    %add3A_27 = arith.addi %mul3A_4, %add3A_26 : i32
    "tpu.region"() ({
      %run_scoped3A = tpu.sem_alloc : memref<!tpu.dma_semaphore, #tpu.memory_space<semaphore_mem>>
      %dma_start3A_50 = arith.constant 0 : i32
      %dma_start3A_51 = tpu.memref_slice %arg4[%add3A_27, %dma_start3A_50] : memref<2560x128xi32, #tpu.memory_space<hbm>> -> memref<40x128xi32, #tpu.memory_space<hbm>>
      %dma_start3A_52 = arith.constant 0 : i32
      %dma_start3A_53 = tpu.memref_slice %arg4[%add3A_27, %dma_start3A_52] : memref<2560x128xi32, #tpu.memory_space<hbm>> -> memref<40x128xi32, #tpu.memory_space<hbm>>
      tpu.enqueue_dma source(%dma_start3A_53 : memref<40x128xi32, #tpu.memory_space<hbm>>) target(%arg8 : memref<40x128xi32, #tpu.memory_space<vmem>>) target_semaphore(%run_scoped3A : memref<!tpu.dma_semaphore, #tpu.memory_space<semaphore_mem>>)
      %dma_wait3A = arith.constant 0 : i32
      %dma_wait3A_54 = tpu.memref_slice %arg4[%add3A_27, %dma_wait3A] : memref<2560x128xi32, #tpu.memory_space<hbm>> -> memref<40x128xi32, #tpu.memory_space<hbm>>
      %dma_wait3A_55 = arith.constant 0 : i32
      %dma_wait3A_56 = tpu.memref_slice %arg4[%add3A_27, %dma_wait3A_55] : memref<2560x128xi32, #tpu.memory_space<hbm>> -> memref<40x128xi32, #tpu.memory_space<hbm>>
      tpu.wait_dma2 semaphore(%run_scoped3A : memref<!tpu.dma_semaphore, #tpu.memory_space<semaphore_mem>>) src(%dma_wait3A_56 : memref<40x128xi32, #tpu.memory_space<hbm>>) dst(%arg8 : memref<40x128xi32, #tpu.memory_space<vmem>>)
      tpu.yield
    }) : () -> ()
    %dma_start3A_28 = arith.constant 0 : i32
    %dma_start3A_29 = arith.constant 0 : i32
    %dma_start3A_30 = arith.constant 0 : i32
    %dma_start3A_31 = arith.constant 0 : i32
    %dma_start3A_32 = tpu.memref_slice %arg9[%dma_start3A_29, %dma_start3A_30, %dma_start3A_31] : memref<2x128x64xbf16, #tpu.memory_space<vmem>> -> memref<1x128x64xbf16, #tpu.memory_space<vmem>>
    %dma_start3A_33 = tpu.memref_squeeze %dma_start3A_32 : memref<1x128x64xbf16, #tpu.memory_space<vmem>> -> memref<128x64xbf16, #tpu.memory_space<vmem>>
    %dma_start3A_34 = arith.constant 0 : i32
    %dma_start3A_35 = tpu.memref_slice %arg7[%dma_start3A_28, %dma_start3A_34] : memref<40x128xi32, #tpu.memory_space<vmem>> -> memref<1x128xi32, #tpu.memory_space<vmem>>
    %dma_start3A_36 = tpu.memref_squeeze %dma_start3A_35 : memref<1x128xi32, #tpu.memory_space<vmem>> -> memref<128xi32, #tpu.memory_space<vmem>>
    %dma_start3A_37 = arith.constant 0 : i32
    %dma_start3A_38 = arith.constant 0 : i32
    %dma_start3A_39 = tpu.memref_slice %arg2[%dma_start3A_37, %dma_start3A_38] : memref<10000x64xbf16, #tpu.memory_space<hbm>> -> memref<10000x64xbf16, #tpu.memory_space<hbm>>
    tpu.enqueue_indirect_dma source(%dma_start3A_39 : memref<10000x64xbf16, #tpu.memory_space<hbm>>) target(%dma_start3A_33 : memref<128x64xbf16, #tpu.memory_space<vmem>>) offsets(%dma_start3A_36 : memref<128xi32, #tpu.memory_space<vmem>>) semaphore(%arg11 : memref<!tpu.dma_semaphore, #tpu.memory_space<semaphore_mem>>)
    %scan3A_40 = arith.constant 0 : i32
    %scan3A_41 = arith.constant 20 : i32
    %scan3A_42 = arith.addi %scan3A_40, %scan3A_41 : i32
    %scan3A_43 = arith.constant 1 : i32
    scf.for %scan3A_50 = %scan3A_40 to %scan3A_42 step %scan3A_43  : i32 {
      %mul3A_51 = arith.constant 1 : i32
      %mul3A_52 = arith.muli %scan3A_50, %mul3A_51 : i32
      %add3A_53 = arith.constant 0 : i32
      %add3A_54 = arith.addi %add3A_53, %mul3A_52 : i32
      %mul3A_55 = arith.constant 2 : i32
      %mul3A_56 = arith.muli %mul3A_55, %add3A_54 : i32
      %add3A_57 = arith.constant 1 : i32
      %add3A_58 = arith.addi %mul3A_56, %add3A_57 : i32
      %dma_start3A_59 = arith.constant 1 : i32
      %dma_start3A_60 = arith.constant 0 : i32
      %dma_start3A_61 = arith.constant 0 : i32
      %dma_start3A_62 = tpu.memref_slice %arg9[%dma_start3A_59, %dma_start3A_60, %dma_start3A_61] : memref<2x128x64xbf16, #tpu.memory_space<vmem>> -> memref<1x128x64xbf16, #tpu.memory_space<vmem>>
      %dma_start3A_63 = tpu.memref_squeeze %dma_start3A_62 : memref<1x128x64xbf16, #tpu.memory_space<vmem>> -> memref<128x64xbf16, #tpu.memory_space<vmem>>
      %dma_start3A_64 = arith.constant 0 : i32
      %dma_start3A_65 = tpu.memref_slice %arg7[%add3A_58, %dma_start3A_64] : memref<40x128xi32, #tpu.memory_space<vmem>> -> memref<1x128xi32, #tpu.memory_space<vmem>>
      %dma_start3A_66 = tpu.memref_squeeze %dma_start3A_65 : memref<1x128xi32, #tpu.memory_space<vmem>> -> memref<128xi32, #tpu.memory_space<vmem>>
      %dma_start3A_67 = arith.constant 0 : i32
      %dma_start3A_68 = arith.constant 0 : i32
      %dma_start3A_69 = tpu.memref_slice %arg2[%dma_start3A_67, %dma_start3A_68] : memref<10000x64xbf16, #tpu.memory_space<hbm>> -> memref<10000x64xbf16, #tpu.memory_space<hbm>>
      tpu.enqueue_indirect_dma source(%dma_start3A_69 : memref<10000x64xbf16, #tpu.memory_space<hbm>>) target(%dma_start3A_63 : memref<128x64xbf16, #tpu.memory_space<vmem>>) offsets(%dma_start3A_66 : memref<128xi32, #tpu.memory_space<vmem>>) semaphore(%arg12 : memref<!tpu.dma_semaphore, #tpu.memory_space<semaphore_mem>>)
      %dma_wait3A = arith.constant 0 : i32
      %dma_wait3A_70 = arith.constant 0 : i32
      %dma_wait3A_71 = arith.constant 0 : i32
      %dma_wait3A_72 = tpu.memref_slice %arg9[%dma_wait3A, %dma_wait3A_70, %dma_wait3A_71] : memref<2x128x64xbf16, #tpu.memory_space<vmem>> -> memref<1x128x64xbf16, #tpu.memory_space<vmem>>
      %dma_wait3A_73 = tpu.memref_squeeze %dma_wait3A_72 : memref<1x128x64xbf16, #tpu.memory_space<vmem>> -> memref<128x64xbf16, #tpu.memory_space<vmem>>
      %dma_wait3A_74 = arith.constant 0 : i32
      %dma_wait3A_75 = tpu.memref_slice %arg7[%mul3A_56, %dma_wait3A_74] : memref<40x128xi32, #tpu.memory_space<vmem>> -> memref<1x128xi32, #tpu.memory_space<vmem>>
      %dma_wait3A_76 = tpu.memref_squeeze %dma_wait3A_75 : memref<1x128xi32, #tpu.memory_space<vmem>> -> memref<128xi32, #tpu.memory_space<vmem>>
      %dma_wait3A_77 = arith.constant 0 : i32
      %dma_wait3A_78 = arith.constant 0 : i32
      %dma_wait3A_79 = tpu.memref_slice %arg2[%dma_wait3A_77, %dma_wait3A_78] : memref<10000x64xbf16, #tpu.memory_space<hbm>> -> memref<10000x64xbf16, #tpu.memory_space<hbm>>
      tpu.wait_indirect_dma semaphore(%arg11 : memref<!tpu.dma_semaphore, #tpu.memory_space<semaphore_mem>>) src(%dma_wait3A_79 : memref<10000x64xbf16, #tpu.memory_space<hbm>>) dst(%dma_wait3A_73 : memref<128x64xbf16, #tpu.memory_space<vmem>>)
      %run_scoped3A = arith.constant 0 : i32
      "tpu.region"() ({
        %run_scoped3A_98 = tpu.sem_alloc : memref<!tpu.dma_semaphore, #tpu.memory_space<semaphore_mem>>
        %dma_start3A_99 = arith.constant 0 : i32
        %dma_start3A_100 = arith.constant 0 : i32
        %dma_start3A_101 = tpu.memref_slice %arg9[%run_scoped3A, %dma_start3A_99, %dma_start3A_100] : memref<2x128x64xbf16, #tpu.memory_space<vmem>> -> memref<1x128x64xbf16, #tpu.memory_space<vmem>>
        %dma_start3A_102 = tpu.memref_squeeze %dma_start3A_101 : memref<1x128x64xbf16, #tpu.memory_space<vmem>> -> memref<128x64xbf16, #tpu.memory_space<vmem>>
        %dma_start3A_103 = arith.constant 0 : i32
        %dma_start3A_104 = tpu.memref_slice %arg8[%mul3A_56, %dma_start3A_103] : memref<40x128xi32, #tpu.memory_space<vmem>> -> memref<1x128xi32, #tpu.memory_space<vmem>>
        %dma_start3A_105 = tpu.memref_squeeze %dma_start3A_104 : memref<1x128xi32, #tpu.memory_space<vmem>> -> memref<128xi32, #tpu.memory_space<vmem>>
        %dma_start3A_106 = arith.constant 0 : i32
        %dma_start3A_107 = arith.constant 0 : i32
        %dma_start3A_108 = tpu.memref_slice %arg10[%dma_start3A_106, %dma_start3A_107] : memref<10240x64xbf16, #tpu.memory_space<vmem_shared>> -> memref<10240x64xbf16, #tpu.memory_space<vmem_shared>>
        tpu.enqueue_indirect_dma source(%dma_start3A_102 : memref<128x64xbf16, #tpu.memory_space<vmem>>) target(%dma_start3A_108 : memref<10240x64xbf16, #tpu.memory_space<vmem_shared>>) offsets(%dma_start3A_105 : memref<128xi32, #tpu.memory_space<vmem>>) semaphore(%run_scoped3A_98 : memref<!tpu.dma_semaphore, #tpu.memory_space<semaphore_mem>>) {add = true}
        %dma_wait3A_109 = arith.constant 0 : i32
        %dma_wait3A_110 = arith.constant 0 : i32
        %dma_wait3A_111 = tpu.memref_slice %arg9[%run_scoped3A, %dma_wait3A_109, %dma_wait3A_110] : memref<2x128x64xbf16, #tpu.memory_space<vmem>> -> memref<1x128x64xbf16, #tpu.memory_space<vmem>>
        %dma_wait3A_112 = tpu.memref_squeeze %dma_wait3A_111 : memref<1x128x64xbf16, #tpu.memory_space<vmem>> -> memref<128x64xbf16, #tpu.memory_space<vmem>>
        %dma_wait3A_113 = arith.constant 0 : i32
        %dma_wait3A_114 = tpu.memref_slice %arg8[%mul3A_56, %dma_wait3A_113] : memref<40x128xi32, #tpu.memory_space<vmem>> -> memref<1x128xi32, #tpu.memory_space<vmem>>
        %dma_wait3A_115 = tpu.memref_squeeze %dma_wait3A_114 : memref<1x128xi32, #tpu.memory_space<vmem>> -> memref<128xi32, #tpu.memory_space<vmem>>
        %dma_wait3A_116 = arith.constant 0 : i32
        %dma_wait3A_117 = arith.constant 0 : i32
        %dma_wait3A_118 = tpu.memref_slice %arg10[%dma_wait3A_116, %dma_wait3A_117] : memref<10240x64xbf16, #tpu.memory_space<vmem_shared>> -> memref<10240x64xbf16, #tpu.memory_space<vmem_shared>>
        tpu.wait_indirect_dma semaphore(%run_scoped3A_98 : memref<!tpu.dma_semaphore, #tpu.memory_space<semaphore_mem>>) src(%dma_wait3A_112 : memref<128x64xbf16, #tpu.memory_space<vmem>>) dst(%dma_wait3A_118 : memref<10240x64xbf16, #tpu.memory_space<vmem_shared>>)
        tpu.yield
      }) : () -> ()
      %lt3A = arith.constant 19 : i32
      %lt3A_80 = arith.cmpi slt, %add3A_54, %lt3A : i32
      %convert_element_type3A = arith.extui %lt3A_80 : i1 to i32
      %cond3A = arith.constant 0 : i32
      %cond3A_81 = arith.cmpi ne, %convert_element_type3A, %cond3A : i32
      scf.if %cond3A_81 {
        %add3A_98 = arith.constant 2 : i32
        %add3A_99 = arith.addi %mul3A_56, %add3A_98 : i32
        %dma_start3A_100 = arith.constant 0 : i32
        %dma_start3A_101 = arith.constant 0 : i32
        %dma_start3A_102 = arith.constant 0 : i32
        %dma_start3A_103 = tpu.memref_slice %arg9[%dma_start3A_100, %dma_start3A_101, %dma_start3A_102] : memref<2x128x64xbf16, #tpu.memory_space<vmem>> -> memref<1x128x64xbf16, #tpu.memory_space<vmem>>
        %dma_start3A_104 = tpu.memref_squeeze %dma_start3A_103 : memref<1x128x64xbf16, #tpu.memory_space<vmem>> -> memref<128x64xbf16, #tpu.memory_space<vmem>>
        %dma_start3A_105 = arith.constant 0 : i32
        %dma_start3A_106 = tpu.memref_slice %arg7[%add3A_99, %dma_start3A_105] : memref<40x128xi32, #tpu.memory_space<vmem>> -> memref<1x128xi32, #tpu.memory_space<vmem>>
        %dma_start3A_107 = tpu.memref_squeeze %dma_start3A_106 : memref<1x128xi32, #tpu.memory_space<vmem>> -> memref<128xi32, #tpu.memory_space<vmem>>
        %dma_start3A_108 = arith.constant 0 : i32
        %dma_start3A_109 = arith.constant 0 : i32
        %dma_start3A_110 = tpu.memref_slice %arg2[%dma_start3A_108, %dma_start3A_109] : memref<10000x64xbf16, #tpu.memory_space<hbm>> -> memref<10000x64xbf16, #tpu.memory_space<hbm>>
        tpu.enqueue_indirect_dma source(%dma_start3A_110 : memref<10000x64xbf16, #tpu.memory_space<hbm>>) target(%dma_start3A_104 : memref<128x64xbf16, #tpu.memory_space<vmem>>) offsets(%dma_start3A_107 : memref<128xi32, #tpu.memory_space<vmem>>) semaphore(%arg11 : memref<!tpu.dma_semaphore, #tpu.memory_space<semaphore_mem>>)
      } else {
      }
      %add3A_82 = arith.constant 1 : i32
      %add3A_83 = arith.addi %mul3A_56, %add3A_82 : i32
      %dma_wait3A_84 = arith.constant 1 : i32
      %dma_wait3A_85 = arith.constant 0 : i32
      %dma_wait3A_86 = arith.constant 0 : i32
      %dma_wait3A_87 = tpu.memref_slice %arg9[%dma_wait3A_84, %dma_wait3A_85, %dma_wait3A_86] : memref<2x128x64xbf16, #tpu.memory_space<vmem>> -> memref<1x128x64xbf16, #tpu.memory_space<vmem>>
      %dma_wait3A_88 = tpu.memref_squeeze %dma_wait3A_87 : memref<1x128x64xbf16, #tpu.memory_space<vmem>> -> memref<128x64xbf16, #tpu.memory_space<vmem>>
      %dma_wait3A_89 = arith.constant 0 : i32
      %dma_wait3A_90 = tpu.memref_slice %arg7[%add3A_83, %dma_wait3A_89] : memref<40x128xi32, #tpu.memory_space<vmem>> -> memref<1x128xi32, #tpu.memory_space<vmem>>
      %dma_wait3A_91 = tpu.memref_squeeze %dma_wait3A_90 : memref<1x128xi32, #tpu.memory_space<vmem>> -> memref<128xi32, #tpu.memory_space<vmem>>
      %dma_wait3A_92 = arith.constant 0 : i32
      %dma_wait3A_93 = arith.constant 0 : i32
      %dma_wait3A_94 = tpu.memref_slice %arg2[%dma_wait3A_92, %dma_wait3A_93] : memref<10000x64xbf16, #tpu.memory_space<hbm>> -> memref<10000x64xbf16, #tpu.memory_space<hbm>>
      tpu.wait_indirect_dma semaphore(%arg12 : memref<!tpu.dma_semaphore, #tpu.memory_space<semaphore_mem>>) src(%dma_wait3A_94 : memref<10000x64xbf16, #tpu.memory_space<hbm>>) dst(%dma_wait3A_88 : memref<128x64xbf16, #tpu.memory_space<vmem>>)
      %add3A_95 = arith.constant 1 : i32
      %add3A_96 = arith.addi %mul3A_56, %add3A_95 : i32
      %run_scoped3A_97 = arith.constant 1 : i32
      "tpu.region"() ({
        %run_scoped3A_98 = tpu.sem_alloc : memref<!tpu.dma_semaphore, #tpu.memory_space<semaphore_mem>>
        %dma_start3A_99 = arith.constant 0 : i32
        %dma_start3A_100 = arith.constant 0 : i32
        %dma_start3A_101 = tpu.memref_slice %arg9[%run_scoped3A_97, %dma_start3A_99, %dma_start3A_100] : memref<2x128x64xbf16, #tpu.memory_space<vmem>> -> memref<1x128x64xbf16, #tpu.memory_space<vmem>>
        %dma_start3A_102 = tpu.memref_squeeze %dma_start3A_101 : memref<1x128x64xbf16, #tpu.memory_space<vmem>> -> memref<128x64xbf16, #tpu.memory_space<vmem>>
        %dma_start3A_103 = arith.constant 0 : i32
        %dma_start3A_104 = tpu.memref_slice %arg8[%add3A_96, %dma_start3A_103] : memref<40x128xi32, #tpu.memory_space<vmem>> -> memref<1x128xi32, #tpu.memory_space<vmem>>
        %dma_start3A_105 = tpu.memref_squeeze %dma_start3A_104 : memref<1x128xi32, #tpu.memory_space<vmem>> -> memref<128xi32, #tpu.memory_space<vmem>>
        %dma_start3A_106 = arith.constant 0 : i32
        %dma_start3A_107 = arith.constant 0 : i32
        %dma_start3A_108 = tpu.memref_slice %arg10[%dma_start3A_106, %dma_start3A_107] : memref<10240x64xbf16, #tpu.memory_space<vmem_shared>> -> memref<10240x64xbf16, #tpu.memory_space<vmem_shared>>
        tpu.enqueue_indirect_dma source(%dma_start3A_102 : memref<128x64xbf16, #tpu.memory_space<vmem>>) target(%dma_start3A_108 : memref<10240x64xbf16, #tpu.memory_space<vmem_shared>>) offsets(%dma_start3A_105 : memref<128xi32, #tpu.memory_space<vmem>>) semaphore(%run_scoped3A_98 : memref<!tpu.dma_semaphore, #tpu.memory_space<semaphore_mem>>) {add = true}
        %dma_wait3A_109 = arith.constant 0 : i32
        %dma_wait3A_110 = arith.constant 0 : i32
        %dma_wait3A_111 = tpu.memref_slice %arg9[%run_scoped3A_97, %dma_wait3A_109, %dma_wait3A_110] : memref<2x128x64xbf16, #tpu.memory_space<vmem>> -> memref<1x128x64xbf16, #tpu.memory_space<vmem>>
        %dma_wait3A_112 = tpu.memref_squeeze %dma_wait3A_111 : memref<1x128x64xbf16, #tpu.memory_space<vmem>> -> memref<128x64xbf16, #tpu.memory_space<vmem>>
        %dma_wait3A_113 = arith.constant 0 : i32
        %dma_wait3A_114 = tpu.memref_slice %arg8[%add3A_96, %dma_wait3A_113] : memref<40x128xi32, #tpu.memory_space<vmem>> -> memref<1x128xi32, #tpu.memory_space<vmem>>
        %dma_wait3A_115 = tpu.memref_squeeze %dma_wait3A_114 : memref<1x128xi32, #tpu.memory_space<vmem>> -> memref<128xi32, #tpu.memory_space<vmem>>
        %dma_wait3A_116 = arith.constant 0 : i32
        %dma_wait3A_117 = arith.constant 0 : i32
        %dma_wait3A_118 = tpu.memref_slice %arg10[%dma_wait3A_116, %dma_wait3A_117] : memref<10240x64xbf16, #tpu.memory_space<vmem_shared>> -> memref<10240x64xbf16, #tpu.memory_space<vmem_shared>>
        tpu.wait_indirect_dma semaphore(%run_scoped3A_98 : memref<!tpu.dma_semaphore, #tpu.memory_space<semaphore_mem>>) src(%dma_wait3A_112 : memref<128x64xbf16, #tpu.memory_space<vmem>>) dst(%dma_wait3A_118 : memref<10240x64xbf16, #tpu.memory_space<vmem_shared>>)
        tpu.yield
      }) : () -> ()
    }
    %scan3A_44 = arith.constant 20 : i32
    %barrier3A_45 = arith.constant 0 : index
    tpu.barrier barrier_id(%barrier3A_45)
    %mul3A_46 = arith.constant 640 : i32
    %mul3A_47 = arith.muli %arg1, %mul3A_46 : i32
    %mul3A_48 = arith.constant 640 : i32
    %mul3A_49 = arith.muli %arg1, %mul3A_48 : i32
    "tpu.region"() ({
      %run_scoped3A = tpu.sem_alloc : memref<!tpu.dma_semaphore, #tpu.memory_space<semaphore_mem>>
      %dma_start3A_50 = arith.constant 0 : i32
      %dma_start3A_51 = tpu.memref_slice %arg6[%arg0, %mul3A_49, %dma_start3A_50] : memref<2x10240x64xbf16, #tpu.memory_space<hbm>> -> memref<1x640x64xbf16, #tpu.memory_space<hbm>>
      %dma_start3A_52 = tpu.memref_squeeze %dma_start3A_51 : memref<1x640x64xbf16, #tpu.memory_space<hbm>> -> memref<640x64xbf16, #tpu.memory_space<hbm>>
      %dma_start3A_53 = arith.constant 0 : i32
      %dma_start3A_54 = tpu.memref_slice %arg10[%mul3A_47, %dma_start3A_53] : memref<10240x64xbf16, #tpu.memory_space<vmem_shared>> -> memref<640x64xbf16, #tpu.memory_space<vmem_shared>>
      tpu.enqueue_dma source(%dma_start3A_54 : memref<640x64xbf16, #tpu.memory_space<vmem_shared>>) target(%dma_start3A_52 : memref<640x64xbf16, #tpu.memory_space<hbm>>) target_semaphore(%run_scoped3A : memref<!tpu.dma_semaphore, #tpu.memory_space<semaphore_mem>>)
      %dma_wait3A = arith.constant 0 : i32
      %dma_wait3A_55 = tpu.memref_slice %arg6[%arg0, %mul3A_49, %dma_wait3A] : memref<2x10240x64xbf16, #tpu.memory_space<hbm>> -> memref<1x640x64xbf16, #tpu.memory_space<hbm>>
      %dma_wait3A_56 = tpu.memref_squeeze %dma_wait3A_55 : memref<1x640x64xbf16, #tpu.memory_space<hbm>> -> memref<640x64xbf16, #tpu.memory_space<hbm>>
      %dma_wait3A_57 = arith.constant 0 : i32
      %dma_wait3A_58 = tpu.memref_slice %arg10[%mul3A_47, %dma_wait3A_57] : memref<10240x64xbf16, #tpu.memory_space<vmem_shared>> -> memref<640x64xbf16, #tpu.memory_space<vmem_shared>>
      tpu.wait_dma2 semaphore(%run_scoped3A : memref<!tpu.dma_semaphore, #tpu.memory_space<semaphore_mem>>) src(%dma_wait3A_58 : memref<640x64xbf16, #tpu.memory_space<vmem_shared>>) dst(%dma_wait3A_56 : memref<640x64xbf16, #tpu.memory_space<hbm>>)
      tpu.yield
    }) : () -> ()
    return
  }
}

#map = affine_map<(d0, d1) -> (0, 0)>
#map1 = affine_map<(d0, d1) -> (0, 0, 0)>
module attributes {stable_mosaic.version = 14 : i64} {
  func.func @segk(%arg0: i32, %arg1: i32, %arg2: memref<10000x128xbf16, #tpu.memory_space<hbm>>, %arg3: memref<2560x128xi32, #tpu.memory_space<hbm>>, %arg4: memref<2560x128xi32, #tpu.memory_space<hbm>>, %arg5: memref<640x128xbf16, #tpu.memory_space<hbm>>, %arg6: memref<2x10240x128xbf16, #tpu.memory_space<hbm>>, %arg7: memref<40x128xi32, #tpu.memory_space<vmem>>, %arg8: memref<40x128xi32, #tpu.memory_space<vmem>>, %arg9: memref<2x128x128xbf16, #tpu.memory_space<vmem>>, %arg10: memref<10240x128xbf16, #tpu.memory_space<vmem_shared>>, %arg11: memref<!tpu.dma_semaphore, #tpu.memory_space<semaphore_mem>>, %arg12: memref<!tpu.dma_semaphore, #tpu.memory_space<semaphore_mem>>) attributes {dimension_semantics = [#tpu.dimension_semantics<core_parallel>, #tpu.dimension_semantics<subcore_parallel>], iteration_bounds = array<i64: 2, 16>, scalar_prefetch = 0 : i64, scratch_operands = 6 : i64, tpu.core_type = #tpu.core_type<sc_vector_subcore>, window_params = [{transform_indices = #map}, {transform_indices = #map}, {transform_indices = #map}, {transform_indices = #map}, {transform_indices = #map1}]} {
    %mul3A = arith.constant 640 : i32
    %mul3A_0 = arith.muli %arg1, %mul3A : i32
    "tpu.region"() ({
      %run_scoped3A = tpu.sem_alloc : memref<!tpu.dma_semaphore, #tpu.memory_space<semaphore_mem>>
      %dma_start3A_50 = arith.constant 0 : i32
      %dma_start3A_51 = tpu.memref_slice %arg10[%mul3A_0, %dma_start3A_50] : memref<10240x128xbf16, #tpu.memory_space<vmem_shared>> -> memref<640x128xbf16, #tpu.memory_space<vmem_shared>>
      tpu.enqueue_dma source(%arg5 : memref<640x128xbf16, #tpu.memory_space<hbm>>) target(%dma_start3A_51 : memref<640x128xbf16, #tpu.memory_space<vmem_shared>>) target_semaphore(%run_scoped3A : memref<!tpu.dma_semaphore, #tpu.memory_space<semaphore_mem>>)
      %dma_wait3A = arith.constant 0 : i32
      %dma_wait3A_52 = tpu.memref_slice %arg10[%mul3A_0, %dma_wait3A] : memref<10240x128xbf16, #tpu.memory_space<vmem_shared>> -> memref<640x128xbf16, #tpu.memory_space<vmem_shared>>
      tpu.wait_dma2 semaphore(%run_scoped3A : memref<!tpu.dma_semaphore, #tpu.memory_space<semaphore_mem>>) src(%arg5 : memref<640x128xbf16, #tpu.memory_space<hbm>>) dst(%dma_wait3A_52 : memref<640x128xbf16, #tpu.memory_space<vmem_shared>>)
      tpu.yield
    }) : () -> ()
    %barrier3A = arith.constant 0 : index
    tpu.barrier barrier_id(%barrier3A)
    %mul3A_1 = arith.constant 16 : i32
    %mul3A_2 = arith.muli %arg0, %mul3A_1 : i32
    %add3A = arith.addi %mul3A_2, %arg1 : i32
    %mul3A_3 = arith.constant 80 : i32
    %mul3A_4 = arith.muli %add3A, %mul3A_3 : i32
    %add3A_5 = arith.constant 0 : i32
    %add3A_6 = arith.addi %mul3A_4, %add3A_5 : i32
    "tpu.region"() ({
      %run_scoped3A = tpu.sem_alloc : memref<!tpu.dma_semaphore, #tpu.memory_space<semaphore_mem>>
      %dma_start3A_50 = arith.constant 0 : i32
      %dma_start3A_51 = tpu.memref_slice %arg3[%add3A_6, %dma_start3A_50] : memref<2560x128xi32, #tpu.memory_space<hbm>> -> memref<40x128xi32, #tpu.memory_space<hbm>>
      %dma_start3A_52 = arith.constant 0 : i32
      %dma_start3A_53 = tpu.memref_slice %arg3[%add3A_6, %dma_start3A_52] : memref<2560x128xi32, #tpu.memory_space<hbm>> -> memref<40x128xi32, #tpu.memory_space<hbm>>
      tpu.enqueue_dma source(%dma_start3A_53 : memref<40x128xi32, #tpu.memory_space<hbm>>) target(%arg7 : memref<40x128xi32, #tpu.memory_space<vmem>>) target_semaphore(%run_scoped3A : memref<!tpu.dma_semaphore, #tpu.memory_space<semaphore_mem>>)
      %dma_wait3A = arith.constant 0 : i32
      %dma_wait3A_54 = tpu.memref_slice %arg3[%add3A_6, %dma_wait3A] : memref<2560x128xi32, #tpu.memory_space<hbm>> -> memref<40x128xi32, #tpu.memory_space<hbm>>
      %dma_wait3A_55 = arith.constant 0 : i32
      %dma_wait3A_56 = tpu.memref_slice %arg3[%add3A_6, %dma_wait3A_55] : memref<2560x128xi32, #tpu.memory_space<hbm>> -> memref<40x128xi32, #tpu.memory_space<hbm>>
      tpu.wait_dma2 semaphore(%run_scoped3A : memref<!tpu.dma_semaphore, #tpu.memory_space<semaphore_mem>>) src(%dma_wait3A_56 : memref<40x128xi32, #tpu.memory_space<hbm>>) dst(%arg7 : memref<40x128xi32, #tpu.memory_space<vmem>>)
      tpu.yield
    }) : () -> ()
    %add3A_7 = arith.constant 0 : i32
    %add3A_8 = arith.addi %mul3A_4, %add3A_7 : i32
    "tpu.region"() ({
      %run_scoped3A = tpu.sem_alloc : memref<!tpu.dma_semaphore, #tpu.memory_space<semaphore_mem>>
      %dma_start3A_50 = arith.constant 0 : i32
      %dma_start3A_51 = tpu.memref_slice %arg4[%add3A_8, %dma_start3A_50] : memref<2560x128xi32, #tpu.memory_space<hbm>> -> memref<40x128xi32, #tpu.memory_space<hbm>>
      %dma_start3A_52 = arith.constant 0 : i32
      %dma_start3A_53 = tpu.memref_slice %arg4[%add3A_8, %dma_start3A_52] : memref<2560x128xi32, #tpu.memory_space<hbm>> -> memref<40x128xi32, #tpu.memory_space<hbm>>
      tpu.enqueue_dma source(%dma_start3A_53 : memref<40x128xi32, #tpu.memory_space<hbm>>) target(%arg8 : memref<40x128xi32, #tpu.memory_space<vmem>>) target_semaphore(%run_scoped3A : memref<!tpu.dma_semaphore, #tpu.memory_space<semaphore_mem>>)
      %dma_wait3A = arith.constant 0 : i32
      %dma_wait3A_54 = tpu.memref_slice %arg4[%add3A_8, %dma_wait3A] : memref<2560x128xi32, #tpu.memory_space<hbm>> -> memref<40x128xi32, #tpu.memory_space<hbm>>
      %dma_wait3A_55 = arith.constant 0 : i32
      %dma_wait3A_56 = tpu.memref_slice %arg4[%add3A_8, %dma_wait3A_55] : memref<2560x128xi32, #tpu.memory_space<hbm>> -> memref<40x128xi32, #tpu.memory_space<hbm>>
      tpu.wait_dma2 semaphore(%run_scoped3A : memref<!tpu.dma_semaphore, #tpu.memory_space<semaphore_mem>>) src(%dma_wait3A_56 : memref<40x128xi32, #tpu.memory_space<hbm>>) dst(%arg8 : memref<40x128xi32, #tpu.memory_space<vmem>>)
      tpu.yield
    }) : () -> ()
    %dma_start3A = arith.constant 0 : i32
    %dma_start3A_9 = arith.constant 0 : i32
    %dma_start3A_10 = arith.constant 0 : i32
    %dma_start3A_11 = arith.constant 0 : i32
    %dma_start3A_12 = tpu.memref_slice %arg9[%dma_start3A_9, %dma_start3A_10, %dma_start3A_11] : memref<2x128x128xbf16, #tpu.memory_space<vmem>> -> memref<1x128x128xbf16, #tpu.memory_space<vmem>>
    %dma_start3A_13 = tpu.memref_squeeze %dma_start3A_12 : memref<1x128x128xbf16, #tpu.memory_space<vmem>> -> memref<128x128xbf16, #tpu.memory_space<vmem>>
    %dma_start3A_14 = arith.constant 0 : i32
    %dma_start3A_15 = tpu.memref_slice %arg7[%dma_start3A, %dma_start3A_14] : memref<40x128xi32, #tpu.memory_space<vmem>> -> memref<1x128xi32, #tpu.memory_space<vmem>>
    %dma_start3A_16 = tpu.memref_squeeze %dma_start3A_15 : memref<1x128xi32, #tpu.memory_space<vmem>> -> memref<128xi32, #tpu.memory_space<vmem>>
    %dma_start3A_17 = arith.constant 0 : i32
    %dma_start3A_18 = arith.constant 0 : i32
    %dma_start3A_19 = tpu.memref_slice %arg2[%dma_start3A_17, %dma_start3A_18] : memref<10000x128xbf16, #tpu.memory_space<hbm>> -> memref<10000x128xbf16, #tpu.memory_space<hbm>>
    tpu.enqueue_indirect_dma source(%dma_start3A_19 : memref<10000x128xbf16, #tpu.memory_space<hbm>>) target(%dma_start3A_13 : memref<128x128xbf16, #tpu.memory_space<vmem>>) offsets(%dma_start3A_16 : memref<128xi32, #tpu.memory_space<vmem>>) semaphore(%arg11 : memref<!tpu.dma_semaphore, #tpu.memory_space<semaphore_mem>>)
    %scan3A = arith.constant 0 : i32
    %scan3A_20 = arith.constant 20 : i32
    %scan3A_21 = arith.addi %scan3A, %scan3A_20 : i32
    %scan3A_22 = arith.constant 1 : i32
    scf.for %scan3A_50 = %scan3A to %scan3A_21 step %scan3A_22  : i32 {
      %mul3A_51 = arith.constant 1 : i32
      %mul3A_52 = arith.muli %scan3A_50, %mul3A_51 : i32
      %add3A_53 = arith.constant 0 : i32
      %add3A_54 = arith.addi %add3A_53, %mul3A_52 : i32
      %mul3A_55 = arith.constant 2 : i32
      %mul3A_56 = arith.muli %mul3A_55, %add3A_54 : i32
      %add3A_57 = arith.constant 1 : i32
      %add3A_58 = arith.addi %mul3A_56, %add3A_57 : i32
      %dma_start3A_59 = arith.constant 1 : i32
      %dma_start3A_60 = arith.constant 0 : i32
      %dma_start3A_61 = arith.constant 0 : i32
      %dma_start3A_62 = tpu.memref_slice %arg9[%dma_start3A_59, %dma_start3A_60, %dma_start3A_61] : memref<2x128x128xbf16, #tpu.memory_space<vmem>> -> memref<1x128x128xbf16, #tpu.memory_space<vmem>>
      %dma_start3A_63 = tpu.memref_squeeze %dma_start3A_62 : memref<1x128x128xbf16, #tpu.memory_space<vmem>> -> memref<128x128xbf16, #tpu.memory_space<vmem>>
      %dma_start3A_64 = arith.constant 0 : i32
      %dma_start3A_65 = tpu.memref_slice %arg7[%add3A_58, %dma_start3A_64] : memref<40x128xi32, #tpu.memory_space<vmem>> -> memref<1x128xi32, #tpu.memory_space<vmem>>
      %dma_start3A_66 = tpu.memref_squeeze %dma_start3A_65 : memref<1x128xi32, #tpu.memory_space<vmem>> -> memref<128xi32, #tpu.memory_space<vmem>>
      %dma_start3A_67 = arith.constant 0 : i32
      %dma_start3A_68 = arith.constant 0 : i32
      %dma_start3A_69 = tpu.memref_slice %arg2[%dma_start3A_67, %dma_start3A_68] : memref<10000x128xbf16, #tpu.memory_space<hbm>> -> memref<10000x128xbf16, #tpu.memory_space<hbm>>
      tpu.enqueue_indirect_dma source(%dma_start3A_69 : memref<10000x128xbf16, #tpu.memory_space<hbm>>) target(%dma_start3A_63 : memref<128x128xbf16, #tpu.memory_space<vmem>>) offsets(%dma_start3A_66 : memref<128xi32, #tpu.memory_space<vmem>>) semaphore(%arg12 : memref<!tpu.dma_semaphore, #tpu.memory_space<semaphore_mem>>)
      %dma_wait3A = arith.constant 0 : i32
      %dma_wait3A_70 = arith.constant 0 : i32
      %dma_wait3A_71 = arith.constant 0 : i32
      %dma_wait3A_72 = tpu.memref_slice %arg9[%dma_wait3A, %dma_wait3A_70, %dma_wait3A_71] : memref<2x128x128xbf16, #tpu.memory_space<vmem>> -> memref<1x128x128xbf16, #tpu.memory_space<vmem>>
      %dma_wait3A_73 = tpu.memref_squeeze %dma_wait3A_72 : memref<1x128x128xbf16, #tpu.memory_space<vmem>> -> memref<128x128xbf16, #tpu.memory_space<vmem>>
      %dma_wait3A_74 = arith.constant 0 : i32
      %dma_wait3A_75 = tpu.memref_slice %arg7[%mul3A_56, %dma_wait3A_74] : memref<40x128xi32, #tpu.memory_space<vmem>> -> memref<1x128xi32, #tpu.memory_space<vmem>>
      %dma_wait3A_76 = tpu.memref_squeeze %dma_wait3A_75 : memref<1x128xi32, #tpu.memory_space<vmem>> -> memref<128xi32, #tpu.memory_space<vmem>>
      %dma_wait3A_77 = arith.constant 0 : i32
      %dma_wait3A_78 = arith.constant 0 : i32
      %dma_wait3A_79 = tpu.memref_slice %arg2[%dma_wait3A_77, %dma_wait3A_78] : memref<10000x128xbf16, #tpu.memory_space<hbm>> -> memref<10000x128xbf16, #tpu.memory_space<hbm>>
      tpu.wait_indirect_dma semaphore(%arg11 : memref<!tpu.dma_semaphore, #tpu.memory_space<semaphore_mem>>) src(%dma_wait3A_79 : memref<10000x128xbf16, #tpu.memory_space<hbm>>) dst(%dma_wait3A_73 : memref<128x128xbf16, #tpu.memory_space<vmem>>)
      %run_scoped3A = arith.constant 0 : i32
      "tpu.region"() ({
        %run_scoped3A_98 = tpu.sem_alloc : memref<!tpu.dma_semaphore, #tpu.memory_space<semaphore_mem>>
        %dma_start3A_99 = arith.constant 0 : i32
        %dma_start3A_100 = arith.constant 0 : i32
        %dma_start3A_101 = tpu.memref_slice %arg9[%run_scoped3A, %dma_start3A_99, %dma_start3A_100] : memref<2x128x128xbf16, #tpu.memory_space<vmem>> -> memref<1x128x128xbf16, #tpu.memory_space<vmem>>
        %dma_start3A_102 = tpu.memref_squeeze %dma_start3A_101 : memref<1x128x128xbf16, #tpu.memory_space<vmem>> -> memref<128x128xbf16, #tpu.memory_space<vmem>>
        %dma_start3A_103 = arith.constant 0 : i32
        %dma_start3A_104 = tpu.memref_slice %arg8[%mul3A_56, %dma_start3A_103] : memref<40x128xi32, #tpu.memory_space<vmem>> -> memref<1x128xi32, #tpu.memory_space<vmem>>
        %dma_start3A_105 = tpu.memref_squeeze %dma_start3A_104 : memref<1x128xi32, #tpu.memory_space<vmem>> -> memref<128xi32, #tpu.memory_space<vmem>>
        %dma_start3A_106 = arith.constant 0 : i32
        %dma_start3A_107 = arith.constant 0 : i32
        %dma_start3A_108 = tpu.memref_slice %arg10[%dma_start3A_106, %dma_start3A_107] : memref<10240x128xbf16, #tpu.memory_space<vmem_shared>> -> memref<10240x128xbf16, #tpu.memory_space<vmem_shared>>
        tpu.enqueue_indirect_dma source(%dma_start3A_102 : memref<128x128xbf16, #tpu.memory_space<vmem>>) target(%dma_start3A_108 : memref<10240x128xbf16, #tpu.memory_space<vmem_shared>>) offsets(%dma_start3A_105 : memref<128xi32, #tpu.memory_space<vmem>>) semaphore(%run_scoped3A_98 : memref<!tpu.dma_semaphore, #tpu.memory_space<semaphore_mem>>) {add = true}
        %dma_wait3A_109 = arith.constant 0 : i32
        %dma_wait3A_110 = arith.constant 0 : i32
        %dma_wait3A_111 = tpu.memref_slice %arg9[%run_scoped3A, %dma_wait3A_109, %dma_wait3A_110] : memref<2x128x128xbf16, #tpu.memory_space<vmem>> -> memref<1x128x128xbf16, #tpu.memory_space<vmem>>
        %dma_wait3A_112 = tpu.memref_squeeze %dma_wait3A_111 : memref<1x128x128xbf16, #tpu.memory_space<vmem>> -> memref<128x128xbf16, #tpu.memory_space<vmem>>
        %dma_wait3A_113 = arith.constant 0 : i32
        %dma_wait3A_114 = tpu.memref_slice %arg8[%mul3A_56, %dma_wait3A_113] : memref<40x128xi32, #tpu.memory_space<vmem>> -> memref<1x128xi32, #tpu.memory_space<vmem>>
        %dma_wait3A_115 = tpu.memref_squeeze %dma_wait3A_114 : memref<1x128xi32, #tpu.memory_space<vmem>> -> memref<128xi32, #tpu.memory_space<vmem>>
        %dma_wait3A_116 = arith.constant 0 : i32
        %dma_wait3A_117 = arith.constant 0 : i32
        %dma_wait3A_118 = tpu.memref_slice %arg10[%dma_wait3A_116, %dma_wait3A_117] : memref<10240x128xbf16, #tpu.memory_space<vmem_shared>> -> memref<10240x128xbf16, #tpu.memory_space<vmem_shared>>
        tpu.wait_indirect_dma semaphore(%run_scoped3A_98 : memref<!tpu.dma_semaphore, #tpu.memory_space<semaphore_mem>>) src(%dma_wait3A_112 : memref<128x128xbf16, #tpu.memory_space<vmem>>) dst(%dma_wait3A_118 : memref<10240x128xbf16, #tpu.memory_space<vmem_shared>>)
        tpu.yield
      }) : () -> ()
      %lt3A = arith.constant 19 : i32
      %lt3A_80 = arith.cmpi slt, %add3A_54, %lt3A : i32
      %convert_element_type3A = arith.extui %lt3A_80 : i1 to i32
      %cond3A = arith.constant 0 : i32
      %cond3A_81 = arith.cmpi ne, %convert_element_type3A, %cond3A : i32
      scf.if %cond3A_81 {
        %add3A_98 = arith.constant 2 : i32
        %add3A_99 = arith.addi %mul3A_56, %add3A_98 : i32
        %dma_start3A_100 = arith.constant 0 : i32
        %dma_start3A_101 = arith.constant 0 : i32
        %dma_start3A_102 = arith.constant 0 : i32
        %dma_start3A_103 = tpu.memref_slice %arg9[%dma_start3A_100, %dma_start3A_101, %dma_start3A_102] : memref<2x128x128xbf16, #tpu.memory_space<vmem>> -> memref<1x128x128xbf16, #tpu.memory_space<vmem>>
        %dma_start3A_104 = tpu.memref_squeeze %dma_start3A_103 : memref<1x128x128xbf16, #tpu.memory_space<vmem>> -> memref<128x128xbf16, #tpu.memory_space<vmem>>
        %dma_start3A_105 = arith.constant 0 : i32
        %dma_start3A_106 = tpu.memref_slice %arg7[%add3A_99, %dma_start3A_105] : memref<40x128xi32, #tpu.memory_space<vmem>> -> memref<1x128xi32, #tpu.memory_space<vmem>>
        %dma_start3A_107 = tpu.memref_squeeze %dma_start3A_106 : memref<1x128xi32, #tpu.memory_space<vmem>> -> memref<128xi32, #tpu.memory_space<vmem>>
        %dma_start3A_108 = arith.constant 0 : i32
        %dma_start3A_109 = arith.constant 0 : i32
        %dma_start3A_110 = tpu.memref_slice %arg2[%dma_start3A_108, %dma_start3A_109] : memref<10000x128xbf16, #tpu.memory_space<hbm>> -> memref<10000x128xbf16, #tpu.memory_space<hbm>>
        tpu.enqueue_indirect_dma source(%dma_start3A_110 : memref<10000x128xbf16, #tpu.memory_space<hbm>>) target(%dma_start3A_104 : memref<128x128xbf16, #tpu.memory_space<vmem>>) offsets(%dma_start3A_107 : memref<128xi32, #tpu.memory_space<vmem>>) semaphore(%arg11 : memref<!tpu.dma_semaphore, #tpu.memory_space<semaphore_mem>>)
      } else {
      }
      %add3A_82 = arith.constant 1 : i32
      %add3A_83 = arith.addi %mul3A_56, %add3A_82 : i32
      %dma_wait3A_84 = arith.constant 1 : i32
      %dma_wait3A_85 = arith.constant 0 : i32
      %dma_wait3A_86 = arith.constant 0 : i32
      %dma_wait3A_87 = tpu.memref_slice %arg9[%dma_wait3A_84, %dma_wait3A_85, %dma_wait3A_86] : memref<2x128x128xbf16, #tpu.memory_space<vmem>> -> memref<1x128x128xbf16, #tpu.memory_space<vmem>>
      %dma_wait3A_88 = tpu.memref_squeeze %dma_wait3A_87 : memref<1x128x128xbf16, #tpu.memory_space<vmem>> -> memref<128x128xbf16, #tpu.memory_space<vmem>>
      %dma_wait3A_89 = arith.constant 0 : i32
      %dma_wait3A_90 = tpu.memref_slice %arg7[%add3A_83, %dma_wait3A_89] : memref<40x128xi32, #tpu.memory_space<vmem>> -> memref<1x128xi32, #tpu.memory_space<vmem>>
      %dma_wait3A_91 = tpu.memref_squeeze %dma_wait3A_90 : memref<1x128xi32, #tpu.memory_space<vmem>> -> memref<128xi32, #tpu.memory_space<vmem>>
      %dma_wait3A_92 = arith.constant 0 : i32
      %dma_wait3A_93 = arith.constant 0 : i32
      %dma_wait3A_94 = tpu.memref_slice %arg2[%dma_wait3A_92, %dma_wait3A_93] : memref<10000x128xbf16, #tpu.memory_space<hbm>> -> memref<10000x128xbf16, #tpu.memory_space<hbm>>
      tpu.wait_indirect_dma semaphore(%arg12 : memref<!tpu.dma_semaphore, #tpu.memory_space<semaphore_mem>>) src(%dma_wait3A_94 : memref<10000x128xbf16, #tpu.memory_space<hbm>>) dst(%dma_wait3A_88 : memref<128x128xbf16, #tpu.memory_space<vmem>>)
      %add3A_95 = arith.constant 1 : i32
      %add3A_96 = arith.addi %mul3A_56, %add3A_95 : i32
      %run_scoped3A_97 = arith.constant 1 : i32
      "tpu.region"() ({
        %run_scoped3A_98 = tpu.sem_alloc : memref<!tpu.dma_semaphore, #tpu.memory_space<semaphore_mem>>
        %dma_start3A_99 = arith.constant 0 : i32
        %dma_start3A_100 = arith.constant 0 : i32
        %dma_start3A_101 = tpu.memref_slice %arg9[%run_scoped3A_97, %dma_start3A_99, %dma_start3A_100] : memref<2x128x128xbf16, #tpu.memory_space<vmem>> -> memref<1x128x128xbf16, #tpu.memory_space<vmem>>
        %dma_start3A_102 = tpu.memref_squeeze %dma_start3A_101 : memref<1x128x128xbf16, #tpu.memory_space<vmem>> -> memref<128x128xbf16, #tpu.memory_space<vmem>>
        %dma_start3A_103 = arith.constant 0 : i32
        %dma_start3A_104 = tpu.memref_slice %arg8[%add3A_96, %dma_start3A_103] : memref<40x128xi32, #tpu.memory_space<vmem>> -> memref<1x128xi32, #tpu.memory_space<vmem>>
        %dma_start3A_105 = tpu.memref_squeeze %dma_start3A_104 : memref<1x128xi32, #tpu.memory_space<vmem>> -> memref<128xi32, #tpu.memory_space<vmem>>
        %dma_start3A_106 = arith.constant 0 : i32
        %dma_start3A_107 = arith.constant 0 : i32
        %dma_start3A_108 = tpu.memref_slice %arg10[%dma_start3A_106, %dma_start3A_107] : memref<10240x128xbf16, #tpu.memory_space<vmem_shared>> -> memref<10240x128xbf16, #tpu.memory_space<vmem_shared>>
        tpu.enqueue_indirect_dma source(%dma_start3A_102 : memref<128x128xbf16, #tpu.memory_space<vmem>>) target(%dma_start3A_108 : memref<10240x128xbf16, #tpu.memory_space<vmem_shared>>) offsets(%dma_start3A_105 : memref<128xi32, #tpu.memory_space<vmem>>) semaphore(%run_scoped3A_98 : memref<!tpu.dma_semaphore, #tpu.memory_space<semaphore_mem>>) {add = true}
        %dma_wait3A_109 = arith.constant 0 : i32
        %dma_wait3A_110 = arith.constant 0 : i32
        %dma_wait3A_111 = tpu.memref_slice %arg9[%run_scoped3A_97, %dma_wait3A_109, %dma_wait3A_110] : memref<2x128x128xbf16, #tpu.memory_space<vmem>> -> memref<1x128x128xbf16, #tpu.memory_space<vmem>>
        %dma_wait3A_112 = tpu.memref_squeeze %dma_wait3A_111 : memref<1x128x128xbf16, #tpu.memory_space<vmem>> -> memref<128x128xbf16, #tpu.memory_space<vmem>>
        %dma_wait3A_113 = arith.constant 0 : i32
        %dma_wait3A_114 = tpu.memref_slice %arg8[%add3A_96, %dma_wait3A_113] : memref<40x128xi32, #tpu.memory_space<vmem>> -> memref<1x128xi32, #tpu.memory_space<vmem>>
        %dma_wait3A_115 = tpu.memref_squeeze %dma_wait3A_114 : memref<1x128xi32, #tpu.memory_space<vmem>> -> memref<128xi32, #tpu.memory_space<vmem>>
        %dma_wait3A_116 = arith.constant 0 : i32
        %dma_wait3A_117 = arith.constant 0 : i32
        %dma_wait3A_118 = tpu.memref_slice %arg10[%dma_wait3A_116, %dma_wait3A_117] : memref<10240x128xbf16, #tpu.memory_space<vmem_shared>> -> memref<10240x128xbf16, #tpu.memory_space<vmem_shared>>
        tpu.wait_indirect_dma semaphore(%run_scoped3A_98 : memref<!tpu.dma_semaphore, #tpu.memory_space<semaphore_mem>>) src(%dma_wait3A_112 : memref<128x128xbf16, #tpu.memory_space<vmem>>) dst(%dma_wait3A_118 : memref<10240x128xbf16, #tpu.memory_space<vmem_shared>>)
        tpu.yield
      }) : () -> ()
    }
    %scan3A_23 = arith.constant 20 : i32
    %add3A_24 = arith.constant 40 : i32
    %add3A_25 = arith.addi %mul3A_4, %add3A_24 : i32
    "tpu.region"() ({
      %run_scoped3A = tpu.sem_alloc : memref<!tpu.dma_semaphore, #tpu.memory_space<semaphore_mem>>
      %dma_start3A_50 = arith.constant 0 : i32
      %dma_start3A_51 = tpu.memref_slice %arg3[%add3A_25, %dma_start3A_50] : memref<2560x128xi32, #tpu.memory_space<hbm>> -> memref<40x128xi32, #tpu.memory_space<hbm>>
      %dma_start3A_52 = arith.constant 0 : i32
      %dma_start3A_53 = tpu.memref_slice %arg3[%add3A_25, %dma_start3A_52] : memref<2560x128xi32, #tpu.memory_space<hbm>> -> memref<40x128xi32, #tpu.memory_space<hbm>>
      tpu.enqueue_dma source(%dma_start3A_53 : memref<40x128xi32, #tpu.memory_space<hbm>>) target(%arg7 : memref<40x128xi32, #tpu.memory_space<vmem>>) target_semaphore(%run_scoped3A : memref<!tpu.dma_semaphore, #tpu.memory_space<semaphore_mem>>)
      %dma_wait3A = arith.constant 0 : i32
      %dma_wait3A_54 = tpu.memref_slice %arg3[%add3A_25, %dma_wait3A] : memref<2560x128xi32, #tpu.memory_space<hbm>> -> memref<40x128xi32, #tpu.memory_space<hbm>>
      %dma_wait3A_55 = arith.constant 0 : i32
      %dma_wait3A_56 = tpu.memref_slice %arg3[%add3A_25, %dma_wait3A_55] : memref<2560x128xi32, #tpu.memory_space<hbm>> -> memref<40x128xi32, #tpu.memory_space<hbm>>
      tpu.wait_dma2 semaphore(%run_scoped3A : memref<!tpu.dma_semaphore, #tpu.memory_space<semaphore_mem>>) src(%dma_wait3A_56 : memref<40x128xi32, #tpu.memory_space<hbm>>) dst(%arg7 : memref<40x128xi32, #tpu.memory_space<vmem>>)
      tpu.yield
    }) : () -> ()
    %add3A_26 = arith.constant 40 : i32
    %add3A_27 = arith.addi %mul3A_4, %add3A_26 : i32
    "tpu.region"() ({
      %run_scoped3A = tpu.sem_alloc : memref<!tpu.dma_semaphore, #tpu.memory_space<semaphore_mem>>
      %dma_start3A_50 = arith.constant 0 : i32
      %dma_start3A_51 = tpu.memref_slice %arg4[%add3A_27, %dma_start3A_50] : memref<2560x128xi32, #tpu.memory_space<hbm>> -> memref<40x128xi32, #tpu.memory_space<hbm>>
      %dma_start3A_52 = arith.constant 0 : i32
      %dma_start3A_53 = tpu.memref_slice %arg4[%add3A_27, %dma_start3A_52] : memref<2560x128xi32, #tpu.memory_space<hbm>> -> memref<40x128xi32, #tpu.memory_space<hbm>>
      tpu.enqueue_dma source(%dma_start3A_53 : memref<40x128xi32, #tpu.memory_space<hbm>>) target(%arg8 : memref<40x128xi32, #tpu.memory_space<vmem>>) target_semaphore(%run_scoped3A : memref<!tpu.dma_semaphore, #tpu.memory_space<semaphore_mem>>)
      %dma_wait3A = arith.constant 0 : i32
      %dma_wait3A_54 = tpu.memref_slice %arg4[%add3A_27, %dma_wait3A] : memref<2560x128xi32, #tpu.memory_space<hbm>> -> memref<40x128xi32, #tpu.memory_space<hbm>>
      %dma_wait3A_55 = arith.constant 0 : i32
      %dma_wait3A_56 = tpu.memref_slice %arg4[%add3A_27, %dma_wait3A_55] : memref<2560x128xi32, #tpu.memory_space<hbm>> -> memref<40x128xi32, #tpu.memory_space<hbm>>
      tpu.wait_dma2 semaphore(%run_scoped3A : memref<!tpu.dma_semaphore, #tpu.memory_space<semaphore_mem>>) src(%dma_wait3A_56 : memref<40x128xi32, #tpu.memory_space<hbm>>) dst(%arg8 : memref<40x128xi32, #tpu.memory_space<vmem>>)
      tpu.yield
    }) : () -> ()
    %dma_start3A_28 = arith.constant 0 : i32
    %dma_start3A_29 = arith.constant 0 : i32
    %dma_start3A_30 = arith.constant 0 : i32
    %dma_start3A_31 = arith.constant 0 : i32
    %dma_start3A_32 = tpu.memref_slice %arg9[%dma_start3A_29, %dma_start3A_30, %dma_start3A_31] : memref<2x128x128xbf16, #tpu.memory_space<vmem>> -> memref<1x128x128xbf16, #tpu.memory_space<vmem>>
    %dma_start3A_33 = tpu.memref_squeeze %dma_start3A_32 : memref<1x128x128xbf16, #tpu.memory_space<vmem>> -> memref<128x128xbf16, #tpu.memory_space<vmem>>
    %dma_start3A_34 = arith.constant 0 : i32
    %dma_start3A_35 = tpu.memref_slice %arg7[%dma_start3A_28, %dma_start3A_34] : memref<40x128xi32, #tpu.memory_space<vmem>> -> memref<1x128xi32, #tpu.memory_space<vmem>>
    %dma_start3A_36 = tpu.memref_squeeze %dma_start3A_35 : memref<1x128xi32, #tpu.memory_space<vmem>> -> memref<128xi32, #tpu.memory_space<vmem>>
    %dma_start3A_37 = arith.constant 0 : i32
    %dma_start3A_38 = arith.constant 0 : i32
    %dma_start3A_39 = tpu.memref_slice %arg2[%dma_start3A_37, %dma_start3A_38] : memref<10000x128xbf16, #tpu.memory_space<hbm>> -> memref<10000x128xbf16, #tpu.memory_space<hbm>>
    tpu.enqueue_indirect_dma source(%dma_start3A_39 : memref<10000x128xbf16, #tpu.memory_space<hbm>>) target(%dma_start3A_33 : memref<128x128xbf16, #tpu.memory_space<vmem>>) offsets(%dma_start3A_36 : memref<128xi32, #tpu.memory_space<vmem>>) semaphore(%arg11 : memref<!tpu.dma_semaphore, #tpu.memory_space<semaphore_mem>>)
    %scan3A_40 = arith.constant 0 : i32
    %scan3A_41 = arith.constant 20 : i32
    %scan3A_42 = arith.addi %scan3A_40, %scan3A_41 : i32
    %scan3A_43 = arith.constant 1 : i32
    scf.for %scan3A_50 = %scan3A_40 to %scan3A_42 step %scan3A_43  : i32 {
      %mul3A_51 = arith.constant 1 : i32
      %mul3A_52 = arith.muli %scan3A_50, %mul3A_51 : i32
      %add3A_53 = arith.constant 0 : i32
      %add3A_54 = arith.addi %add3A_53, %mul3A_52 : i32
      %mul3A_55 = arith.constant 2 : i32
      %mul3A_56 = arith.muli %mul3A_55, %add3A_54 : i32
      %add3A_57 = arith.constant 1 : i32
      %add3A_58 = arith.addi %mul3A_56, %add3A_57 : i32
      %dma_start3A_59 = arith.constant 1 : i32
      %dma_start3A_60 = arith.constant 0 : i32
      %dma_start3A_61 = arith.constant 0 : i32
      %dma_start3A_62 = tpu.memref_slice %arg9[%dma_start3A_59, %dma_start3A_60, %dma_start3A_61] : memref<2x128x128xbf16, #tpu.memory_space<vmem>> -> memref<1x128x128xbf16, #tpu.memory_space<vmem>>
      %dma_start3A_63 = tpu.memref_squeeze %dma_start3A_62 : memref<1x128x128xbf16, #tpu.memory_space<vmem>> -> memref<128x128xbf16, #tpu.memory_space<vmem>>
      %dma_start3A_64 = arith.constant 0 : i32
      %dma_start3A_65 = tpu.memref_slice %arg7[%add3A_58, %dma_start3A_64] : memref<40x128xi32, #tpu.memory_space<vmem>> -> memref<1x128xi32, #tpu.memory_space<vmem>>
      %dma_start3A_66 = tpu.memref_squeeze %dma_start3A_65 : memref<1x128xi32, #tpu.memory_space<vmem>> -> memref<128xi32, #tpu.memory_space<vmem>>
      %dma_start3A_67 = arith.constant 0 : i32
      %dma_start3A_68 = arith.constant 0 : i32
      %dma_start3A_69 = tpu.memref_slice %arg2[%dma_start3A_67, %dma_start3A_68] : memref<10000x128xbf16, #tpu.memory_space<hbm>> -> memref<10000x128xbf16, #tpu.memory_space<hbm>>
      tpu.enqueue_indirect_dma source(%dma_start3A_69 : memref<10000x128xbf16, #tpu.memory_space<hbm>>) target(%dma_start3A_63 : memref<128x128xbf16, #tpu.memory_space<vmem>>) offsets(%dma_start3A_66 : memref<128xi32, #tpu.memory_space<vmem>>) semaphore(%arg12 : memref<!tpu.dma_semaphore, #tpu.memory_space<semaphore_mem>>)
      %dma_wait3A = arith.constant 0 : i32
      %dma_wait3A_70 = arith.constant 0 : i32
      %dma_wait3A_71 = arith.constant 0 : i32
      %dma_wait3A_72 = tpu.memref_slice %arg9[%dma_wait3A, %dma_wait3A_70, %dma_wait3A_71] : memref<2x128x128xbf16, #tpu.memory_space<vmem>> -> memref<1x128x128xbf16, #tpu.memory_space<vmem>>
      %dma_wait3A_73 = tpu.memref_squeeze %dma_wait3A_72 : memref<1x128x128xbf16, #tpu.memory_space<vmem>> -> memref<128x128xbf16, #tpu.memory_space<vmem>>
      %dma_wait3A_74 = arith.constant 0 : i32
      %dma_wait3A_75 = tpu.memref_slice %arg7[%mul3A_56, %dma_wait3A_74] : memref<40x128xi32, #tpu.memory_space<vmem>> -> memref<1x128xi32, #tpu.memory_space<vmem>>
      %dma_wait3A_76 = tpu.memref_squeeze %dma_wait3A_75 : memref<1x128xi32, #tpu.memory_space<vmem>> -> memref<128xi32, #tpu.memory_space<vmem>>
      %dma_wait3A_77 = arith.constant 0 : i32
      %dma_wait3A_78 = arith.constant 0 : i32
      %dma_wait3A_79 = tpu.memref_slice %arg2[%dma_wait3A_77, %dma_wait3A_78] : memref<10000x128xbf16, #tpu.memory_space<hbm>> -> memref<10000x128xbf16, #tpu.memory_space<hbm>>
      tpu.wait_indirect_dma semaphore(%arg11 : memref<!tpu.dma_semaphore, #tpu.memory_space<semaphore_mem>>) src(%dma_wait3A_79 : memref<10000x128xbf16, #tpu.memory_space<hbm>>) dst(%dma_wait3A_73 : memref<128x128xbf16, #tpu.memory_space<vmem>>)
      %run_scoped3A = arith.constant 0 : i32
      "tpu.region"() ({
        %run_scoped3A_98 = tpu.sem_alloc : memref<!tpu.dma_semaphore, #tpu.memory_space<semaphore_mem>>
        %dma_start3A_99 = arith.constant 0 : i32
        %dma_start3A_100 = arith.constant 0 : i32
        %dma_start3A_101 = tpu.memref_slice %arg9[%run_scoped3A, %dma_start3A_99, %dma_start3A_100] : memref<2x128x128xbf16, #tpu.memory_space<vmem>> -> memref<1x128x128xbf16, #tpu.memory_space<vmem>>
        %dma_start3A_102 = tpu.memref_squeeze %dma_start3A_101 : memref<1x128x128xbf16, #tpu.memory_space<vmem>> -> memref<128x128xbf16, #tpu.memory_space<vmem>>
        %dma_start3A_103 = arith.constant 0 : i32
        %dma_start3A_104 = tpu.memref_slice %arg8[%mul3A_56, %dma_start3A_103] : memref<40x128xi32, #tpu.memory_space<vmem>> -> memref<1x128xi32, #tpu.memory_space<vmem>>
        %dma_start3A_105 = tpu.memref_squeeze %dma_start3A_104 : memref<1x128xi32, #tpu.memory_space<vmem>> -> memref<128xi32, #tpu.memory_space<vmem>>
        %dma_start3A_106 = arith.constant 0 : i32
        %dma_start3A_107 = arith.constant 0 : i32
        %dma_start3A_108 = tpu.memref_slice %arg10[%dma_start3A_106, %dma_start3A_107] : memref<10240x128xbf16, #tpu.memory_space<vmem_shared>> -> memref<10240x128xbf16, #tpu.memory_space<vmem_shared>>
        tpu.enqueue_indirect_dma source(%dma_start3A_102 : memref<128x128xbf16, #tpu.memory_space<vmem>>) target(%dma_start3A_108 : memref<10240x128xbf16, #tpu.memory_space<vmem_shared>>) offsets(%dma_start3A_105 : memref<128xi32, #tpu.memory_space<vmem>>) semaphore(%run_scoped3A_98 : memref<!tpu.dma_semaphore, #tpu.memory_space<semaphore_mem>>) {add = true}
        %dma_wait3A_109 = arith.constant 0 : i32
        %dma_wait3A_110 = arith.constant 0 : i32
        %dma_wait3A_111 = tpu.memref_slice %arg9[%run_scoped3A, %dma_wait3A_109, %dma_wait3A_110] : memref<2x128x128xbf16, #tpu.memory_space<vmem>> -> memref<1x128x128xbf16, #tpu.memory_space<vmem>>
        %dma_wait3A_112 = tpu.memref_squeeze %dma_wait3A_111 : memref<1x128x128xbf16, #tpu.memory_space<vmem>> -> memref<128x128xbf16, #tpu.memory_space<vmem>>
        %dma_wait3A_113 = arith.constant 0 : i32
        %dma_wait3A_114 = tpu.memref_slice %arg8[%mul3A_56, %dma_wait3A_113] : memref<40x128xi32, #tpu.memory_space<vmem>> -> memref<1x128xi32, #tpu.memory_space<vmem>>
        %dma_wait3A_115 = tpu.memref_squeeze %dma_wait3A_114 : memref<1x128xi32, #tpu.memory_space<vmem>> -> memref<128xi32, #tpu.memory_space<vmem>>
        %dma_wait3A_116 = arith.constant 0 : i32
        %dma_wait3A_117 = arith.constant 0 : i32
        %dma_wait3A_118 = tpu.memref_slice %arg10[%dma_wait3A_116, %dma_wait3A_117] : memref<10240x128xbf16, #tpu.memory_space<vmem_shared>> -> memref<10240x128xbf16, #tpu.memory_space<vmem_shared>>
        tpu.wait_indirect_dma semaphore(%run_scoped3A_98 : memref<!tpu.dma_semaphore, #tpu.memory_space<semaphore_mem>>) src(%dma_wait3A_112 : memref<128x128xbf16, #tpu.memory_space<vmem>>) dst(%dma_wait3A_118 : memref<10240x128xbf16, #tpu.memory_space<vmem_shared>>)
        tpu.yield
      }) : () -> ()
      %lt3A = arith.constant 19 : i32
      %lt3A_80 = arith.cmpi slt, %add3A_54, %lt3A : i32
      %convert_element_type3A = arith.extui %lt3A_80 : i1 to i32
      %cond3A = arith.constant 0 : i32
      %cond3A_81 = arith.cmpi ne, %convert_element_type3A, %cond3A : i32
      scf.if %cond3A_81 {
        %add3A_98 = arith.constant 2 : i32
        %add3A_99 = arith.addi %mul3A_56, %add3A_98 : i32
        %dma_start3A_100 = arith.constant 0 : i32
        %dma_start3A_101 = arith.constant 0 : i32
        %dma_start3A_102 = arith.constant 0 : i32
        %dma_start3A_103 = tpu.memref_slice %arg9[%dma_start3A_100, %dma_start3A_101, %dma_start3A_102] : memref<2x128x128xbf16, #tpu.memory_space<vmem>> -> memref<1x128x128xbf16, #tpu.memory_space<vmem>>
        %dma_start3A_104 = tpu.memref_squeeze %dma_start3A_103 : memref<1x128x128xbf16, #tpu.memory_space<vmem>> -> memref<128x128xbf16, #tpu.memory_space<vmem>>
        %dma_start3A_105 = arith.constant 0 : i32
        %dma_start3A_106 = tpu.memref_slice %arg7[%add3A_99, %dma_start3A_105] : memref<40x128xi32, #tpu.memory_space<vmem>> -> memref<1x128xi32, #tpu.memory_space<vmem>>
        %dma_start3A_107 = tpu.memref_squeeze %dma_start3A_106 : memref<1x128xi32, #tpu.memory_space<vmem>> -> memref<128xi32, #tpu.memory_space<vmem>>
        %dma_start3A_108 = arith.constant 0 : i32
        %dma_start3A_109 = arith.constant 0 : i32
        %dma_start3A_110 = tpu.memref_slice %arg2[%dma_start3A_108, %dma_start3A_109] : memref<10000x128xbf16, #tpu.memory_space<hbm>> -> memref<10000x128xbf16, #tpu.memory_space<hbm>>
        tpu.enqueue_indirect_dma source(%dma_start3A_110 : memref<10000x128xbf16, #tpu.memory_space<hbm>>) target(%dma_start3A_104 : memref<128x128xbf16, #tpu.memory_space<vmem>>) offsets(%dma_start3A_107 : memref<128xi32, #tpu.memory_space<vmem>>) semaphore(%arg11 : memref<!tpu.dma_semaphore, #tpu.memory_space<semaphore_mem>>)
      } else {
      }
      %add3A_82 = arith.constant 1 : i32
      %add3A_83 = arith.addi %mul3A_56, %add3A_82 : i32
      %dma_wait3A_84 = arith.constant 1 : i32
      %dma_wait3A_85 = arith.constant 0 : i32
      %dma_wait3A_86 = arith.constant 0 : i32
      %dma_wait3A_87 = tpu.memref_slice %arg9[%dma_wait3A_84, %dma_wait3A_85, %dma_wait3A_86] : memref<2x128x128xbf16, #tpu.memory_space<vmem>> -> memref<1x128x128xbf16, #tpu.memory_space<vmem>>
      %dma_wait3A_88 = tpu.memref_squeeze %dma_wait3A_87 : memref<1x128x128xbf16, #tpu.memory_space<vmem>> -> memref<128x128xbf16, #tpu.memory_space<vmem>>
      %dma_wait3A_89 = arith.constant 0 : i32
      %dma_wait3A_90 = tpu.memref_slice %arg7[%add3A_83, %dma_wait3A_89] : memref<40x128xi32, #tpu.memory_space<vmem>> -> memref<1x128xi32, #tpu.memory_space<vmem>>
      %dma_wait3A_91 = tpu.memref_squeeze %dma_wait3A_90 : memref<1x128xi32, #tpu.memory_space<vmem>> -> memref<128xi32, #tpu.memory_space<vmem>>
      %dma_wait3A_92 = arith.constant 0 : i32
      %dma_wait3A_93 = arith.constant 0 : i32
      %dma_wait3A_94 = tpu.memref_slice %arg2[%dma_wait3A_92, %dma_wait3A_93] : memref<10000x128xbf16, #tpu.memory_space<hbm>> -> memref<10000x128xbf16, #tpu.memory_space<hbm>>
      tpu.wait_indirect_dma semaphore(%arg12 : memref<!tpu.dma_semaphore, #tpu.memory_space<semaphore_mem>>) src(%dma_wait3A_94 : memref<10000x128xbf16, #tpu.memory_space<hbm>>) dst(%dma_wait3A_88 : memref<128x128xbf16, #tpu.memory_space<vmem>>)
      %add3A_95 = arith.constant 1 : i32
      %add3A_96 = arith.addi %mul3A_56, %add3A_95 : i32
      %run_scoped3A_97 = arith.constant 1 : i32
      "tpu.region"() ({
        %run_scoped3A_98 = tpu.sem_alloc : memref<!tpu.dma_semaphore, #tpu.memory_space<semaphore_mem>>
        %dma_start3A_99 = arith.constant 0 : i32
        %dma_start3A_100 = arith.constant 0 : i32
        %dma_start3A_101 = tpu.memref_slice %arg9[%run_scoped3A_97, %dma_start3A_99, %dma_start3A_100] : memref<2x128x128xbf16, #tpu.memory_space<vmem>> -> memref<1x128x128xbf16, #tpu.memory_space<vmem>>
        %dma_start3A_102 = tpu.memref_squeeze %dma_start3A_101 : memref<1x128x128xbf16, #tpu.memory_space<vmem>> -> memref<128x128xbf16, #tpu.memory_space<vmem>>
        %dma_start3A_103 = arith.constant 0 : i32
        %dma_start3A_104 = tpu.memref_slice %arg8[%add3A_96, %dma_start3A_103] : memref<40x128xi32, #tpu.memory_space<vmem>> -> memref<1x128xi32, #tpu.memory_space<vmem>>
        %dma_start3A_105 = tpu.memref_squeeze %dma_start3A_104 : memref<1x128xi32, #tpu.memory_space<vmem>> -> memref<128xi32, #tpu.memory_space<vmem>>
        %dma_start3A_106 = arith.constant 0 : i32
        %dma_start3A_107 = arith.constant 0 : i32
        %dma_start3A_108 = tpu.memref_slice %arg10[%dma_start3A_106, %dma_start3A_107] : memref<10240x128xbf16, #tpu.memory_space<vmem_shared>> -> memref<10240x128xbf16, #tpu.memory_space<vmem_shared>>
        tpu.enqueue_indirect_dma source(%dma_start3A_102 : memref<128x128xbf16, #tpu.memory_space<vmem>>) target(%dma_start3A_108 : memref<10240x128xbf16, #tpu.memory_space<vmem_shared>>) offsets(%dma_start3A_105 : memref<128xi32, #tpu.memory_space<vmem>>) semaphore(%run_scoped3A_98 : memref<!tpu.dma_semaphore, #tpu.memory_space<semaphore_mem>>) {add = true}
        %dma_wait3A_109 = arith.constant 0 : i32
        %dma_wait3A_110 = arith.constant 0 : i32
        %dma_wait3A_111 = tpu.memref_slice %arg9[%run_scoped3A_97, %dma_wait3A_109, %dma_wait3A_110] : memref<2x128x128xbf16, #tpu.memory_space<vmem>> -> memref<1x128x128xbf16, #tpu.memory_space<vmem>>
        %dma_wait3A_112 = tpu.memref_squeeze %dma_wait3A_111 : memref<1x128x128xbf16, #tpu.memory_space<vmem>> -> memref<128x128xbf16, #tpu.memory_space<vmem>>
        %dma_wait3A_113 = arith.constant 0 : i32
        %dma_wait3A_114 = tpu.memref_slice %arg8[%add3A_96, %dma_wait3A_113] : memref<40x128xi32, #tpu.memory_space<vmem>> -> memref<1x128xi32, #tpu.memory_space<vmem>>
        %dma_wait3A_115 = tpu.memref_squeeze %dma_wait3A_114 : memref<1x128xi32, #tpu.memory_space<vmem>> -> memref<128xi32, #tpu.memory_space<vmem>>
        %dma_wait3A_116 = arith.constant 0 : i32
        %dma_wait3A_117 = arith.constant 0 : i32
        %dma_wait3A_118 = tpu.memref_slice %arg10[%dma_wait3A_116, %dma_wait3A_117] : memref<10240x128xbf16, #tpu.memory_space<vmem_shared>> -> memref<10240x128xbf16, #tpu.memory_space<vmem_shared>>
        tpu.wait_indirect_dma semaphore(%run_scoped3A_98 : memref<!tpu.dma_semaphore, #tpu.memory_space<semaphore_mem>>) src(%dma_wait3A_112 : memref<128x128xbf16, #tpu.memory_space<vmem>>) dst(%dma_wait3A_118 : memref<10240x128xbf16, #tpu.memory_space<vmem_shared>>)
        tpu.yield
      }) : () -> ()
    }
    %scan3A_44 = arith.constant 20 : i32
    %barrier3A_45 = arith.constant 0 : index
    tpu.barrier barrier_id(%barrier3A_45)
    %mul3A_46 = arith.constant 640 : i32
    %mul3A_47 = arith.muli %arg1, %mul3A_46 : i32
    %mul3A_48 = arith.constant 640 : i32
    %mul3A_49 = arith.muli %arg1, %mul3A_48 : i32
    "tpu.region"() ({
      %run_scoped3A = tpu.sem_alloc : memref<!tpu.dma_semaphore, #tpu.memory_space<semaphore_mem>>
      %dma_start3A_50 = arith.constant 0 : i32
      %dma_start3A_51 = tpu.memref_slice %arg6[%arg0, %mul3A_49, %dma_start3A_50] : memref<2x10240x128xbf16, #tpu.memory_space<hbm>> -> memref<1x640x128xbf16, #tpu.memory_space<hbm>>
      %dma_start3A_52 = tpu.memref_squeeze %dma_start3A_51 : memref<1x640x128xbf16, #tpu.memory_space<hbm>> -> memref<640x128xbf16, #tpu.memory_space<hbm>>
      %dma_start3A_53 = arith.constant 0 : i32
      %dma_start3A_54 = tpu.memref_slice %arg10[%mul3A_47, %dma_start3A_53] : memref<10240x128xbf16, #tpu.memory_space<vmem_shared>> -> memref<640x128xbf16, #tpu.memory_space<vmem_shared>>
      tpu.enqueue_dma source(%dma_start3A_54 : memref<640x128xbf16, #tpu.memory_space<vmem_shared>>) target(%dma_start3A_52 : memref<640x128xbf16, #tpu.memory_space<hbm>>) target_semaphore(%run_scoped3A : memref<!tpu.dma_semaphore, #tpu.memory_space<semaphore_mem>>)
      %dma_wait3A = arith.constant 0 : i32
      %dma_wait3A_55 = tpu.memref_slice %arg6[%arg0, %mul3A_49, %dma_wait3A] : memref<2x10240x128xbf16, #tpu.memory_space<hbm>> -> memref<1x640x128xbf16, #tpu.memory_space<hbm>>
      %dma_wait3A_56 = tpu.memref_squeeze %dma_wait3A_55 : memref<1x640x128xbf16, #tpu.memory_space<hbm>> -> memref<640x128xbf16, #tpu.memory_space<hbm>>
      %dma_wait3A_57 = arith.constant 0 : i32
      %dma_wait3A_58 = tpu.memref_slice %arg10[%mul3A_47, %dma_wait3A_57] : memref<10240x128xbf16, #tpu.memory_space<vmem_shared>> -> memref<640x128xbf16, #tpu.memory_space<vmem_shared>>
      tpu.wait_dma2 semaphore(%run_scoped3A : memref<!tpu.dma_semaphore, #tpu.memory_space<semaphore_mem>>) src(%dma_wait3A_58 : memref<640x128xbf16, #tpu.memory_space<vmem_shared>>) dst(%dma_wait3A_56 : memref<640x128xbf16, #tpu.memory_space<hbm>>)
      tpu.yield
    }) : () -> ()
    return
  }
}

module attributes {stable_mosaic.version = 14 : i64} {
  func.func @body(%arg0: i32, %arg1: memref<1000x128xf32, #tpu.memory_space<vmem>>, %arg2: memref<128x128xf32, #tpu.memory_space<vmem>>, %arg3: memref<1000x128xf32, #tpu.memory_space<vmem>>) attributes {dimension_semantics = [#tpu.dimension_semantics<arbitrary>], iteration_bounds = array<i64: 10>, scalar_prefetch = 0 : i64, scratch_operands = 0 : i64, tpu.core_type = #tpu.core_type<tc>, window_params = [{transform_indices = @transform_0, window_bounds = array<i64: 1000, 128>}, {pipeline_mode = #tpu.pipeline_mode<synchronous>, transform_indices = @transform_1, window_bounds = array<i64: 128, 128>}, {transform_indices = @transform_2, window_bounds = array<i64: 1000, 128>}]} {
    %get3A = arith.constant 0 : index
    %get3A_0 = arith.constant 0 : index
    %get3A_1 = vector.load %arg1[%get3A, %get3A_0] : memref<1000x128xf32, #tpu.memory_space<vmem>>, vector<1000x128xf32>
    %get3A_2 = arith.constant 0 : index
    %get3A_3 = arith.constant 0 : index
    %get3A_4 = vector.load %arg2[%get3A_2, %get3A_3] : memref<128x128xf32, #tpu.memory_space<vmem>>, vector<128x128xf32>
    %dot_general3A = arith.constant dense<0.000000e+00> : vector<1000x128xf32>
    %dot_general3A_5 = tpu.matmul %get3A_1, %get3A_4, %dot_general3A {dimension_numbers = #tpu.dot_dimension_numbers<[1], [0], [0], [1], [0, 0, 1, 1], [], []>, transpose_lhs_hint = false} : vector<1000x128xf32>, vector<128x128xf32>, vector<1000x128xf32> -> vector<1000x128xf32>
    %swap3A = arith.constant 0 : index
    %swap3A_6 = arith.constant 0 : index
    %swap3A_7 = vector.load %arg3[%swap3A, %swap3A_6] : memref<1000x128xf32, #tpu.memory_space<vmem>>, vector<1000x128xf32>
    tpu.vector_store %arg3[%swap3A, %swap3A_6], %dot_general3A_5 {strides = array<i32>} : memref<1000x128xf32, #tpu.memory_space<vmem>>, vector<1000x128xf32>,
    return
  }
  func.func @transform_0(%arg0: i32) -> (i32, i32) {
    %c0_i32 = arith.constant 0 : i32
    %c0_i32_0 = arith.constant 0 : i32
    return %arg0, %c0_i32 : i32, i32
  }
  func.func @transform_1(%arg0: i32) -> (i32, i32) {
    %c0_i32 = arith.constant 0 : i32
    %c0_i32_0 = arith.constant 0 : i32
    %c0_i32_1 = arith.constant 0 : i32
    return %c0_i32, %c0_i32_0 : i32, i32
  }
  func.func @transform_2(%arg0: i32) -> (i32, i32) {
    %c0_i32 = arith.constant 0 : i32
    %c0_i32_0 = arith.constant 0 : i32
    return %arg0, %c0_i32 : i32, i32
  }
}

module attributes {stable_mosaic.version = 14 : i64} {
  func.func @body(%arg0: i32, %arg1: memref<2x1000x16xf32, #tpu.memory_space<vmem>>, %arg2: memref<1000x128xf32, #tpu.memory_space<vmem>>, %arg3: memref<1000x128xbf16, #tpu.memory_space<vmem>>, %arg4: memref<1000x16xf32, #tpu.memory_space<vmem>>) attributes {dimension_semantics = [#tpu.dimension_semantics<arbitrary>], iteration_bounds = array<i64: 10>, scalar_prefetch = 0 : i64, scratch_operands = 0 : i64, tpu.core_type = #tpu.core_type<tc>, window_params = [{transform_indices = @transform_0, window_bounds = array<i64: 2, 1000, 16>}, {transform_indices = @transform_1, window_bounds = array<i64: 1000, 128>}, {transform_indices = @transform_2, window_bounds = array<i64: 1000, 128>}, {transform_indices = @transform_3, window_bounds = array<i64: 1000, 16>}]} {
    %get3A = arith.constant 0 : index
    %get3A_0 = arith.constant 0 : index
    %get3A_1 = arith.constant 0 : index
    %get3A_2 = vector.load %arg1[%get3A, %get3A_0, %get3A_1] : memref<2x1000x16xf32, #tpu.memory_space<vmem>>, vector<1x1000x1xf32>
    %get3A_3 = vector.shape_cast %get3A_2 : vector<1x1000x1xf32> to vector<1000x1xf32>
    %get3A_4 = arith.constant 1 : index
    %get3A_5 = arith.constant 0 : index
    %get3A_6 = arith.constant 0 : index
    %get3A_7 = vector.load %arg1[%get3A_4, %get3A_5, %get3A_6] : memref<2x1000x16xf32, #tpu.memory_space<vmem>>, vector<1x1000x1xf32>
    %get3A_8 = vector.shape_cast %get3A_7 : vector<1x1000x1xf32> to vector<1000x1xf32>
    %add3A = arith.addf %get3A_3, %get3A_8 : vector<1000x1xf32>
    %add3A_9 = arith.constant 1.000000e+00 : f32
    %add3A_10 = vector.broadcast %add3A_9 : f32 to vector<1000x1xf32>
    %add3A_11 = arith.addf %add3A, %add3A_10 : vector<1000x1xf32>
    %rsqrt3A = math.rsqrt %add3A_11 : vector<1000x1xf32>
    %get3A_12 = arith.constant 0 : index
    %get3A_13 = arith.constant 0 : index
    %get3A_14 = vector.load %arg2[%get3A_12, %get3A_13] : memref<1000x128xf32, #tpu.memory_space<vmem>>, vector<1000x128xf32>
    %mul3A = vector.broadcast %rsqrt3A : vector<1000x1xf32> to vector<1000x128xf32>
    %mul3A_15 = arith.mulf %get3A_14, %mul3A : vector<1000x128xf32>
    %convert_element_type3A = arith.truncf %mul3A_15 : vector<1000x128xf32> to vector<1000x128xbf16>
    %swap3A = arith.constant 0 : index
    %swap3A_16 = arith.constant 0 : index
    %swap3A_17 = vector.load %arg3[%swap3A, %swap3A_16] : memref<1000x128xbf16, #tpu.memory_space<vmem>>, vector<1000x128xbf16>
    tpu.vector_store %arg3[%swap3A, %swap3A_16], %convert_element_type3A {strides = array<i32>} : memref<1000x128xbf16, #tpu.memory_space<vmem>>, vector<1000x128xbf16>,
    %broadcast_in_dim3A = vector.shape_cast %rsqrt3A : vector<1000x1xf32> to vector<1000x1xf32>
    %broadcast_in_dim3A_18 = vector.broadcast %broadcast_in_dim3A : vector<1000x1xf32> to vector<1000x16xf32>
    %swap3A_19 = arith.constant 0 : index
    %swap3A_20 = arith.constant 0 : index
    %swap3A_21 = vector.load %arg4[%swap3A_19, %swap3A_20] : memref<1000x16xf32, #tpu.memory_space<vmem>>, vector<1000x16xf32>
    tpu.vector_store %arg4[%swap3A_19, %swap3A_20], %broadcast_in_dim3A_18 {strides = array<i32>} : memref<1000x16xf32, #tpu.memory_space<vmem>>, vector<1000x16xf32>,
    return
  }
  func.func @transform_0(%arg0: i32) -> (i32, i32, i32) {
    %c0_i32 = arith.constant 0 : i32
    %c0_i32_0 = arith.constant 0 : i32
    %c0_i32_1 = arith.constant 0 : i32
    return %c0_i32, %arg0, %c0_i32_0 : i32, i32, i32
  }
  func.func @transform_1(%arg0: i32) -> (i32, i32) {
    %c0_i32 = arith.constant 0 : i32
    %c0_i32_0 = arith.constant 0 : i32
    return %arg0, %c0_i32 : i32, i32
  }
  func.func @transform_2(%arg0: i32) -> (i32, i32) {
    %c0_i32 = arith.constant 0 : i32
    %c0_i32_0 = arith.constant 0 : i32
    return %arg0, %c0_i32 : i32, i32
  }
  func.func @transform_3(%arg0: i32) -> (i32, i32) {
    %c0_i32 = arith.constant 0 : i32
    %c0_i32_0 = arith.constant 0 : i32
    return %arg0, %c0_i32 : i32, i32
  }
}

module attributes {stable_mosaic.version = 14 : i64} {
  func.func @body(%arg0: i32, %arg1: memref<2x1000x128xbf16, #tpu.memory_space<vmem>>, %arg2: memref<1000x128xbf16, #tpu.memory_space<vmem>>, %arg3: memref<1000x16xf32, #tpu.memory_space<vmem>>, %arg4: memref<128xf32, #tpu.memory_space<vmem>>, %arg5: memref<128x64xf32, #tpu.memory_space<vmem>>, %arg6: memref<1000x64xbf16, #tpu.memory_space<vmem>>) attributes {dimension_semantics = [#tpu.dimension_semantics<arbitrary>], iteration_bounds = array<i64: 10>, scalar_prefetch = 0 : i64, scratch_operands = 0 : i64, tpu.core_type = #tpu.core_type<tc>, window_params = [{transform_indices = @transform_0, window_bounds = array<i64: 2, 1000, 128>}, {transform_indices = @transform_1, window_bounds = array<i64: 1000, 128>}, {transform_indices = @transform_2, window_bounds = array<i64: 1000, 16>}, {pipeline_mode = #tpu.pipeline_mode<synchronous>, transform_indices = @transform_3, window_bounds = array<i64: 128>}, {pipeline_mode = #tpu.pipeline_mode<synchronous>, transform_indices = @transform_4, window_bounds = array<i64: 128, 64>}, {transform_indices = @transform_5, window_bounds = array<i64: 1000, 64>}]} {
    %get3A = arith.constant 0 : index
    %get3A_0 = arith.constant 0 : index
    %get3A_1 = vector.load %arg3[%get3A, %get3A_0] : memref<1000x16xf32, #tpu.memory_space<vmem>>, vector<1000x1xf32>
    %get3A_2 = arith.constant 0 : index
    %get3A_3 = arith.constant 0 : index
    %get3A_4 = arith.constant 0 : index
    %get3A_5 = vector.load %arg1[%get3A_2, %get3A_3, %get3A_4] : memref<2x1000x128xbf16, #tpu.memory_space<vmem>>, vector<1x1000x128xbf16>
    %get3A_6 = vector.shape_cast %get3A_5 : vector<1x1000x128xbf16> to vector<1000x128xbf16>
    %convert_element_type3A = arith.extf %get3A_6 : vector<1000x128xbf16> to vector<1000x128xf32>
    %get3A_7 = arith.constant 1 : index
    %get3A_8 = arith.constant 0 : index
    %get3A_9 = arith.constant 0 : index
    %get3A_10 = vector.load %arg1[%get3A_7, %get3A_8, %get3A_9] : memref<2x1000x128xbf16, #tpu.memory_space<vmem>>, vector<1x1000x128xbf16>
    %get3A_11 = vector.shape_cast %get3A_10 : vector<1x1000x128xbf16> to vector<1000x128xbf16>
    %convert_element_type3A_12 = arith.extf %get3A_11 : vector<1000x128xbf16> to vector<1000x128xf32>
    %add3A = arith.addf %convert_element_type3A, %convert_element_type3A_12 : vector<1000x128xf32>
    %get3A_13 = arith.constant 0 : index
    %get3A_14 = arith.constant 0 : index
    %get3A_15 = vector.load %arg2[%get3A_13, %get3A_14] : memref<1000x128xbf16, #tpu.memory_space<vmem>>, vector<1000x128xbf16>
    %convert_element_type3A_16 = arith.extf %get3A_15 : vector<1000x128xbf16> to vector<1000x128xf32>
    %add3A_17 = arith.addf %add3A, %convert_element_type3A_16 : vector<1000x128xf32>
    %mul3A = vector.broadcast %get3A_1 : vector<1000x1xf32> to vector<1000x128xf32>
    %mul3A_18 = arith.mulf %mul3A, %add3A_17 : vector<1000x128xf32>
    %get3A_19 = arith.constant 0 : index
    %get3A_20 = vector.load %arg4[%get3A_19] : memref<128xf32, #tpu.memory_space<vmem>>, vector<128xf32>
    %broadcast_in_dim3A = vector.shape_cast %get3A_20 : vector<128xf32> to vector<1x128xf32>
    %add3A_21 = vector.broadcast %broadcast_in_dim3A : vector<1x128xf32> to vector<1000x128xf32>
    %add3A_22 = arith.addf %mul3A_18, %add3A_21 : vector<1000x128xf32>
    %max3A = arith.constant 0.000000e+00 : f32
    %max3A_23 = vector.broadcast %max3A : f32 to vector<1000x128xf32>
    %max3A_24 = arith.maximumf %add3A_22, %max3A_23 : vector<1000x128xf32>
    %get3A_25 = arith.constant 0 : index
    %get3A_26 = arith.constant 0 : index
    %get3A_27 = vector.load %arg5[%get3A_25, %get3A_26] : memref<128x64xf32, #tpu.memory_space<vmem>>, vector<128x64xf32>
    %dot_general3A = arith.constant dense<0.000000e+00> : vector<1000x64xf32>
    %dot_general3A_28 = tpu.matmul %max3A_24, %get3A_27, %dot_general3A {dimension_numbers = #tpu.dot_dimension_numbers<[1], [0], [0], [1], [0, 0, 1, 1], [], []>, transpose_lhs_hint = false} : vector<1000x128xf32>, vector<128x64xf32>, vector<1000x64xf32> -> vector<1000x64xf32>
    %mul3A_29 = vector.broadcast %get3A_1 : vector<1000x1xf32> to vector<1000x64xf32>
    %mul3A_30 = arith.mulf %mul3A_29, %dot_general3A_28 : vector<1000x64xf32>
    %convert_element_type3A_31 = arith.truncf %mul3A_30 : vector<1000x64xf32> to vector<1000x64xbf16>
    %swap3A = arith.constant 0 : index
    %swap3A_32 = arith.constant 0 : index
    %swap3A_33 = vector.load %arg6[%swap3A, %swap3A_32] : memref<1000x64xbf16, #tpu.memory_space<vmem>>, vector<1000x64xbf16>
    tpu.vector_store %arg6[%swap3A, %swap3A_32], %convert_element_type3A_31 {strides = array<i32>} : memref<1000x64xbf16, #tpu.memory_space<vmem>>, vector<1000x64xbf16>,
    return
  }
  func.func @transform_0(%arg0: i32) -> (i32, i32, i32) {
    %c0_i32 = arith.constant 0 : i32
    %c0_i32_0 = arith.constant 0 : i32
    %c0_i32_1 = arith.constant 0 : i32
    return %c0_i32, %arg0, %c0_i32_0 : i32, i32, i32
  }
  func.func @transform_1(%arg0: i32) -> (i32, i32) {
    %c0_i32 = arith.constant 0 : i32
    %c0_i32_0 = arith.constant 0 : i32
    return %arg0, %c0_i32 : i32, i32
  }
  func.func @transform_2(%arg0: i32) -> (i32, i32) {
    %c0_i32 = arith.constant 0 : i32
    %c0_i32_0 = arith.constant 0 : i32
    return %arg0, %c0_i32 : i32, i32
  }
  func.func @transform_3(%arg0: i32) -> i32 {
    %c0_i32 = arith.constant 0 : i32
    %c0_i32_0 = arith.constant 0 : i32
    return %c0_i32 : i32
  }
  func.func @transform_4(%arg0: i32) -> (i32, i32) {
    %c0_i32 = arith.constant 0 : i32
    %c0_i32_0 = arith.constant 0 : i32
    %c0_i32_1 = arith.constant 0 : i32
    return %c0_i32, %c0_i32_0 : i32, i32
  }
  func.func @transform_5(%arg0: i32) -> (i32, i32) {
    %c0_i32 = arith.constant 0 : i32
    %c0_i32_0 = arith.constant 0 : i32
    return %arg0, %c0_i32 : i32, i32
  }
}

module attributes {stable_mosaic.version = 14 : i64} {
  func.func @body(%arg0: i32, %arg1: memref<2x1000x64xbf16, #tpu.memory_space<vmem>>, %arg2: memref<1000x64xbf16, #tpu.memory_space<vmem>>, %arg3: memref<1000x16xf32, #tpu.memory_space<vmem>>, %arg4: memref<64xf32, #tpu.memory_space<vmem>>, %arg5: memref<64x40xf32, #tpu.memory_space<vmem>>, %arg6: memref<40xf32, #tpu.memory_space<vmem>>, %arg7: memref<1000x40xf32, #tpu.memory_space<vmem>>) attributes {dimension_semantics = [#tpu.dimension_semantics<arbitrary>], iteration_bounds = array<i64: 10>, scalar_prefetch = 0 : i64, scratch_operands = 0 : i64, tpu.core_type = #tpu.core_type<tc>, window_params = [{transform_indices = @transform_0, window_bounds = array<i64: 2, 1000, 64>}, {transform_indices = @transform_1, window_bounds = array<i64: 1000, 64>}, {transform_indices = @transform_2, window_bounds = array<i64: 1000, 16>}, {pipeline_mode = #tpu.pipeline_mode<synchronous>, transform_indices = @transform_3, window_bounds = array<i64: 64>}, {pipeline_mode = #tpu.pipeline_mode<synchronous>, transform_indices = @transform_4, window_bounds = array<i64: 64, 40>}, {pipeline_mode = #tpu.pipeline_mode<synchronous>, transform_indices = @transform_5, window_bounds = array<i64: 40>}, {transform_indices = @transform_6, window_bounds = array<i64: 1000, 40>}]} {
    %get3A = arith.constant 0 : index
    %get3A_0 = arith.constant 0 : index
    %get3A_1 = arith.constant 0 : index
    %get3A_2 = vector.load %arg1[%get3A, %get3A_0, %get3A_1] : memref<2x1000x64xbf16, #tpu.memory_space<vmem>>, vector<1x1000x64xbf16>
    %get3A_3 = vector.shape_cast %get3A_2 : vector<1x1000x64xbf16> to vector<1000x64xbf16>
    %convert_element_type3A = arith.extf %get3A_3 : vector<1000x64xbf16> to vector<1000x64xf32>
    %get3A_4 = arith.constant 1 : index
    %get3A_5 = arith.constant 0 : index
    %get3A_6 = arith.constant 0 : index
    %get3A_7 = vector.load %arg1[%get3A_4, %get3A_5, %get3A_6] : memref<2x1000x64xbf16, #tpu.memory_space<vmem>>, vector<1x1000x64xbf16>
    %get3A_8 = vector.shape_cast %get3A_7 : vector<1x1000x64xbf16> to vector<1000x64xbf16>
    %convert_element_type3A_9 = arith.extf %get3A_8 : vector<1000x64xbf16> to vector<1000x64xf32>
    %add3A = arith.addf %convert_element_type3A, %convert_element_type3A_9 : vector<1000x64xf32>
    %get3A_10 = arith.constant 0 : index
    %get3A_11 = arith.constant 0 : index
    %get3A_12 = vector.load %arg2[%get3A_10, %get3A_11] : memref<1000x64xbf16, #tpu.memory_space<vmem>>, vector<1000x64xbf16>
    %convert_element_type3A_13 = arith.extf %get3A_12 : vector<1000x64xbf16> to vector<1000x64xf32>
    %add3A_14 = arith.addf %add3A, %convert_element_type3A_13 : vector<1000x64xf32>
    %get3A_15 = arith.constant 0 : index
    %get3A_16 = arith.constant 0 : index
    %get3A_17 = vector.load %arg3[%get3A_15, %get3A_16] : memref<1000x16xf32, #tpu.memory_space<vmem>>, vector<1000x1xf32>
    %mul3A = vector.broadcast %get3A_17 : vector<1000x1xf32> to vector<1000x64xf32>
    %mul3A_18 = arith.mulf %mul3A, %add3A_14 : vector<1000x64xf32>
    %get3A_19 = arith.constant 0 : index
    %get3A_20 = vector.load %arg4[%get3A_19] : memref<64xf32, #tpu.memory_space<vmem>>, vector<64xf32>
    %broadcast_in_dim3A = vector.shape_cast %get3A_20 : vector<64xf32> to vector<1x64xf32>
    %add3A_21 = vector.broadcast %broadcast_in_dim3A : vector<1x64xf32> to vector<1000x64xf32>
    %add3A_22 = arith.addf %mul3A_18, %add3A_21 : vector<1000x64xf32>
    %get3A_23 = arith.constant 0 : index
    %get3A_24 = arith.constant 0 : index
    %get3A_25 = vector.load %arg5[%get3A_23, %get3A_24] : memref<64x40xf32, #tpu.memory_space<vmem>>, vector<64x40xf32>
    %dot_general3A = arith.constant dense<0.000000e+00> : vector<1000x40xf32>
    %dot_general3A_26 = tpu.matmul %add3A_22, %get3A_25, %dot_general3A {dimension_numbers = #tpu.dot_dimension_numbers<[1], [0], [0], [1], [0, 0, 1, 1], [], []>, transpose_lhs_hint = false} : vector<1000x64xf32>, vector<64x40xf32>, vector<1000x40xf32> -> vector<1000x40xf32>
    %get3A_27 = arith.constant 0 : index
    %get3A_28 = vector.load %arg6[%get3A_27] : memref<40xf32, #tpu.memory_space<vmem>>, vector<40xf32>
    %broadcast_in_dim3A_29 = vector.shape_cast %get3A_28 : vector<40xf32> to vector<1x40xf32>
    %add3A_30 = vector.broadcast %broadcast_in_dim3A_29 : vector<1x40xf32> to vector<1000x40xf32>
    %add3A_31 = arith.addf %dot_general3A_26, %add3A_30 : vector<1000x40xf32>
    %reduce_max3A = arith.constant dense<0xFF800000> : vector<1000xf32>
    %reduce_max3A_32 = vector.multi_reduction <maximumf>, %add3A_31, %reduce_max3A [1] : vector<1000x40xf32> to vector<1000xf32>
    %broadcast_in_dim3A_33 = vector.shape_cast %reduce_max3A_32 : vector<1000xf32> to vector<1000x1xf32>
    %sub3A = vector.broadcast %broadcast_in_dim3A_33 : vector<1000x1xf32> to vector<1000x40xf32>
    %sub3A_34 = arith.subf %add3A_31, %sub3A : vector<1000x40xf32>
    %exp3A = math.exp %sub3A_34 : vector<1000x40xf32>
    %reduce_sum3A = arith.constant dense<0.000000e+00> : vector<1000xf32>
    %reduce_sum3A_35 = vector.multi_reduction <add>, %exp3A, %reduce_sum3A [1] : vector<1000x40xf32> to vector<1000xf32>
    %broadcast_in_dim3A_36 = vector.shape_cast %reduce_sum3A_35 : vector<1000xf32> to vector<1000x1xf32>
    %log3A = math.log %broadcast_in_dim3A_36 : vector<1000x1xf32>
    %sub3A_37 = vector.broadcast %log3A : vector<1000x1xf32> to vector<1000x40xf32>
    %sub3A_38 = arith.subf %sub3A_34, %sub3A_37 : vector<1000x40xf32>
    %swap3A = arith.constant 0 : index
    %swap3A_39 = arith.constant 0 : index
    %swap3A_40 = vector.load %arg7[%swap3A, %swap3A_39] : memref<1000x40xf32, #tpu.memory_space<vmem>>, vector<1000x40xf32>
    tpu.vector_store %arg7[%swap3A, %swap3A_39], %sub3A_38 {strides = array<i32>} : memref<1000x40xf32, #tpu.memory_space<vmem>>, vector<1000x40xf32>,
    return
  }
  func.func @transform_0(%arg0: i32) -> (i32, i32, i32) {
    %c0_i32 = arith.constant 0 : i32
    %c0_i32_0 = arith.constant 0 : i32
    %c0_i32_1 = arith.constant 0 : i32
    return %c0_i32, %arg0, %c0_i32_0 : i32, i32, i32
  }
  func.func @transform_1(%arg0: i32) -> (i32, i32) {
    %c0_i32 = arith.constant 0 : i32
    %c0_i32_0 = arith.constant 0 : i32
    return %arg0, %c0_i32 : i32, i32
  }
  func.func @transform_2(%arg0: i32) -> (i32, i32) {
    %c0_i32 = arith.constant 0 : i32
    %c0_i32_0 = arith.constant 0 : i32
    return %arg0, %c0_i32 : i32, i32
  }
  func.func @transform_3(%arg0: i32) -> i32 {
    %c0_i32 = arith.constant 0 : i32
    %c0_i32_0 = arith.constant 0 : i32
    return %c0_i32 : i32
  }
  func.func @transform_4(%arg0: i32) -> (i32, i32) {
    %c0_i32 = arith.constant 0 : i32
    %c0_i32_0 = arith.constant 0 : i32
    %c0_i32_1 = arith.constant 0 : i32
    return %c0_i32, %c0_i32_0 : i32, i32
  }
  func.func @transform_5(%arg0: i32) -> i32 {
    %c0_i32 = arith.constant 0 : i32
    %c0_i32_0 = arith.constant 0 : i32
    return %c0_i32 : i32
  }
  func.func @transform_6(%arg0: i32) -> (i32, i32) {
    %c0_i32 = arith.constant 0 : i32
    %c0_i32_0 = arith.constant 0 : i32
    return %arg0, %c0_i32 : i32, i32
  }
}

</mosaic_0001>

<sc_bundles>
// kernel: kernel.12.cloned.1.call-start
scs
__scs_entry_jumppad:
0x0: {  	(pc) =	sbr.rel $0x88, $3  }
0x1: {  	(tag) =	ssettag $0x0;
	lr =	simm.s32 $0x1  }
0x2: {  	[smem:$0x3F99] =	sst lr;
	_ =	strace $0xD0000000  }
0x3: {  	_ = 	snop  }
0x4: {  	_ = 	snop  }
0x5: {  	_ = 	snop  }
0x6: {  	_ = 	snop  }
0x7: {  	_ = 	snop  }
__scs_overlays_trampoline_lowered:
0x8: {  	[smem:$0x3FA8] =	sst s0  }
0x9: {  	[smem:$0x3FA9] =	sst s1  }
0xa: {  	[smem:$0x3FAA] =	sst s2  }
0xb: {  	[smem:$0x3FAB] =	sst s3  }
0xc: {  	[smem:$0x3FAC] =	sst s4  }
0xd: {  	[smem:$0x3FAD] =	sst s5  }
0xe: {  	[smem:$0x3FAE] =	sst s6  }
0xf: {  	[smem:$0x3FAF] =	sst s7  }
0x10: {  	[smem:$0x3FB0] =	sst s8  }
0x11: {  	[smem:$0x3FB1] =	sst s9;
	s0 =	simm.s32 @!p0 $0x0  }
0x12: {  	s1 =	sld [smem:$0x3F97];
	s0 =	simm.s32 @p0 $0x1  }
0x13: {  	[smem:$0x3FB2] =	sst s0;
	s0 =	simm.s32 @!p1 $0x0  }
0x14: {  	s2 =	sld [smem:$0x3F96];
	s0 =	simm.s32 @p1 $0x1  }
0x15: {  	[smem:$0x3FB3] =	sst s0;
	s0 =	simm.s32 @!p2 $0x0  }
0x16: {  	s3 =	sld [smem:$0x3FDB];
	s0 =	simm.s32 @p2 $0x1  }
0x17: {  	s4 =	simm.s32 $0x1BF5;
	[smem:$0x3FB5] =	sst s0  }
0x18: {  	s0 =	sld [smem:$0x3F98];
	_ =	swait.ge [sflag:s4], $0x0  }
0x19: {  	s7 =	sld [smem:$0x3F99]  }
0x1a: {  	s8 =	sadd.s32 $0xFFFFE003, lr  }
0x1b: {  	s9 =	sadd.s32 $0xFFFFFEF7, lr;
	s5 =	simm.s32 $0xFFFFFFFF;
	p2 =	slt.u32 s8, $0xFFFFF086  }
0x1c: {  	p1 =	slt.u32 s9, $0xF7A;
	s5 =	simm.s32 @!p2 $0x0  }
0x1d: {  	s5 =	simm.s32 @p1 $0x1;
	p0 =	seq.s32 s7, s2  }
0x1e: {  	s7 =	smul.u32 @!p0 $0xF7A, s2;
	p2 =	seq.s32 @!p0 s5, $0x0  }
0x1f: {  	s9 =	smul.u32 $0xF7A, s1;
	s8 =	simm.s32 @!p0 $0x1BF5;
	p2 =	por !p2, p0  }
0x20: {  	[sflag:s8] =	ssyncset.s32 @!p0 $0xFFFFF086;
	s6 =	sadd.s32 @!p0 s3, s7;
	s7 =	simm.s32 @!p0 $0x108  }
0x21: {  	s3 =	sadd.s32 s3, s9;
	s6 =	sadd.s32 @!p0 $0x88, s6;
	s7 =	simm.s32 @p2 $0x1082  }
0x22: {  	[simem:s7], [sflag:s8] =	dma.local @!p0 [hbm:s6], $0xF7A  }
0x23: {  	s9 =	sor.u32 $0xD0000000, s2;
	s6 =	simm.s32 $0x108;
	_ =	swait.ge @!p0 [sflag:s8], $0x0  }
0x24: {  	s3 =	sadd.s32 $0x88, s3;
	s6 =	simm.s32 @!p1 $0x1082;
	[sflag:s4] =	ssyncset.s32 $0xFFFFF086  }
0x25: {  	[simem:s6], [sflag:s4] =	dma.local [hbm:s3], $0xF7A  }
0x26: {  	[smem:$0x3F99] =	sst s1;
	(tag) =	ssettag s2;
	_ =	strace s9  }
0x27: {  	s1 =	sld [smem:$0x3FA9]  }
0x28: {  	s2 =	sld [smem:$0x3FAA]  }
0x29: {  	s4 =	sld [smem:$0x3FAC]  }
0x2a: {  	p0 =	seq.s32 s5, $0x0;
	s5 =	sld [smem:$0x3FAD]  }
0x2b: {  	s6 =	sld [smem:$0x3FAE]  }
0x2c: {  	s7 =	sld [smem:$0x3FAF]  }
0x2d: {  	s3 =	simm.s32 $0x108;
	s8 =	sld [smem:$0x3FB0]  }
0x2e: {  	s3 =	simm.s32 @!p0 $0x1082;
	s9 =	sld [smem:$0x3FB1]  }
0x2f: {  	lr =	sadd.s32 s0, s3;
	s0 =	sld [smem:$0x3FA8]  }
0x30: {  	s3 =	sld [smem:$0x3FAB]  }
0x31: {  	[smem:$0x3FB4] =	sst s10  }
0x32: {  	s10 =	sld [smem:$0x3FB2];
	_ =	sdelay $0x3  }
0x33: {  	p0 =	seq.s32 s10, $0x1;
	s10 =	sld [smem:$0x3FB4];
	_ =	sdelay $0x3  }
0x34: {  	[smem:$0x3FB4] =	sst s10  }
0x35: {  	s10 =	sld [smem:$0x3FB3];
	_ =	sdelay $0x3  }
0x36: {  	p1 =	seq.s32 s10, $0x1;
	s10 =	sld [smem:$0x3FB4];
	_ =	sdelay $0x3  }
0x37: {  	[smem:$0x3FB4] =	sst s10  }
0x38: {  	s10 =	sld [smem:$0x3FB5]  }
0x39: {  	_ = 	snop;
	(pc) =	sbr.ind lr, $3  }
0x3a: {  	_ = 	snop  }
0x3b: {  	_ = 	snop  }
0x3c: {  	p2 =	seq.s32 s10, $0x1;
	s10 =	sld [smem:$0x3FB4]  }
0x3d: {  	_ =	shalt  }
0x3e: {  	_ =	shalt  }
0x3f: {  	_ =	shalt  }
0x40: {  	_ =	shalt  }
0x41: {  	_ =	shalt  }
0x42: {  	_ =	shalt  }
0x43: {  	_ =	shalt  }
0x44: {  	_ =	shalt  }
0x45: {  	_ =	shalt  }
0x46: {  	_ =	shalt  }
0x47: {  	_ =	shalt  }
0x48: {  	_ =	shalt  }
0x49: {  	_ =	shalt  }
0x4a: {  	_ =	shalt  }
0x4b: {  	_ =	shalt  }
0x4c: {  	_ =	shalt  }
0x4d: {  	_ =	shalt  }
0x4e: {  	_ =	shalt  }
0x4f: {  	_ =	shalt  }
0x50: {  	_ =	shalt  }
0x51: {  	_ =	shalt  }
0x52: {  	_ =	shalt  }
0x53: {  	_ =	shalt  }
0x54: {  	_ =	shalt  }
0x55: {  	_ =	shalt  }
0x56: {  	_ =	shalt  }
0x57: {  	_ =	shalt  }
0x58: {  	_ =	shalt  }
0x59: {  	_ =	shalt  }
0x5a: {  	_ =	shalt  }
0x5b: {  	_ =	shalt  }
0x5c: {  	_ =	shalt  }
0x5d: {  	_ =	shalt  }
0x5e: {  	_ =	shalt  }
0x5f: {  	_ =	shalt  }
0x60: {  	_ =	shalt  }
0x61: {  	_ =	shalt  }
0x62: {  	_ =	shalt  }
0x63: {  	_ =	shalt  }
0x64: {  	_ =	shalt  }
0x65: {  	_ =	shalt  }
0x66: {  	_ =	shalt  }
0x67: {  	_ =	shalt  }
0x68: {  	_ =	shalt  }
0x69: {  	_ =	shalt  }
0x6a: {  	_ =	shalt  }
0x6b: {  	_ =	shalt  }
0x6c: {  	_ =	shalt  }
0x6d: {  	_ =	shalt  }
0x6e: {  	_ =	shalt  }
0x6f: {  	_ =	shalt  }
0x70: {  	_ =	shalt  }
0x71: {  	_ =	shalt  }
0x72: {  	_ =	shalt  }
0x73: {  	_ =	shalt  }
0x74: {  	_ =	shalt  }
0x75: {  	_ =	shalt  }
0x76: {  	_ =	shalt  }
0x77: {  	_ =	shalt  }
0x78: {  	_ =	shalt  }
0x79: {  	_ =	shalt  }
0x7a: {  	_ =	shalt  }
0x7b: {  	_ =	shalt  }
0x7c: {  	_ =	shalt  }
0x7d: {  	_ =	shalt  }
0x7e: {  	_ =	shalt  }
0x7f: {  	_ =	shalt  }
0x80: {  	_ =	shalt  }
0x81: {  	_ =	shalt  }
0x82: {  	_ =	shalt  }
0x83: {  	_ =	shalt  }
0x84: {  	_ =	shalt  }
0x85: {  	_ =	shalt  }
0x86: {  	_ =	shalt  }
0x87: {  	_ =	shalt  }
.Lfunc_end0:
.L_simem_size_0:
called_computation.1_lowered:
.L_overlay_start_0:
0x88: {  	s2 =	sld [smem:$0x3FD9]  }
0x89: {  	s3 =	sld [smem:$0x3FFE];
	_ =	sdelay $0x1  }
0x8a: {  	s1 =	srdreg.scid  }
0x8b: {  	s0 =	sand.u32 $0x1, s1  }
0x8c: {  	s17 =	sshll.u32 s0, $0xA;
	s2 =	sadd.s32 s3, s2  }
0x8d: {  	s2 =	sadd.s32 s2, s17  }
0x8e: {  	[smem:$0x3FC0] =	sst s2  }
0x8f: {  	_ = 	snop  }
0x90: {  	s2 =	sld [smem:$0x3FD0];
	(tm) =	ssettm $0x1  }
0x91: {  	s18 =	sld [smem:$0x3FFB];
	_ =	sdelay $0x3  }
0x92: {  	_ =	strace s18  }
0x93: {  	s3 =	sld [smem:$0x3FFC];
	_ =	sdelay $0x3  }
0x94: {  	_ =	strace s3  }
0x95: {  	s3 =	sld [smem:$0x3FFD];
	_ =	sdelay $0x3  }
0x96: {  	_ =	strace s3  }
0x97: {  	_ =	strace $0x8FFFFFFF  }
0x98: {  	s19 =	sld [smem:$0x3FDB];
	_ =	sdelay $0x1  }
0x99: {  	s4 =	simm.s32 $_scs_section_size  }
0x9a: {  	s5 =	simm.s32 $_size__tile_overlayer_lowered;
	s6 =	simm.s32 $_tile_overlayer_lowered  }
0x9b: {  	s22 =	simm.s32 $0x1BFF;
	s21 =	sshll.u32 s6, $0x1;
	s3 =	sadd.s32 s4, s19  }
0x9c: {  	s7 =	simm.s32 $0x0;
	s20 =	sshll.u32 s5, $0x1;
	s5 =	sadd.s32 s21, s3  }
0x9d: {  	[timem:s7], [sflag:s22] =	dma.local [hbm:s5], s20  }
0x9e: {  	_ =	swait.ge [sflag:s22], s20  }
0x9f: {  	s4 =	ssub.s32 $0x0, s20;
	[sflag:s22] =	ssyncset.done $0x0  }
0xa0: {  	[sflag:s22] =	ssyncadd.s32 s4;
	_ =	sdelay $0x1  }
0xa1: {  	s23 =	simm.s32 $0x1B8B  }
0xa2: {  	_ =	swait.ge [sflag:s23], $0x1  }
0xa3: {  	[sflag:s23] =	ssyncset.done $0x0  }
0xa4: {  	s25 =	simm.s32 $0x1B8E;
	s24 =	sld [smem:$0x3FFE];
	[sflag:s23] =	ssyncadd.s32 $0xFFFFFFFF  }
0xa5: {  	s26 =	simm.s32 $execute0_lowered;
	[smem:$0x3FD2] =	sst s25  }
0xa6: {  	s5 =	sshll.u32 s26, $0x1;
	_ =	strace $0x80000049;
	[dreg:$0x1] =	wrdreg $0xFFFFFFFF  }
0xa7: {  	s28 =	simm.s32 $_size_execute0_lowered;
	s3 =	sadd.s32 s3, s5;
	[dreg:$0x0] =	wrdreg $0x0  }
0xa8: {  	s5 =	sshll.u32 s28, $0x1;
	[dreg:$0x2] =	wrdreg s3  }
0xa9: {  	[dreg:$0x3] =	wrdreg s5  }
0xaa: {  	[dreg:$0x4] =	wrdreg $0xC0  }
0xab: {  	_ =	task [dreg:s7], $0x5FFFF  }
0xac: {  	[dreg:$0x1] =	wrdreg $0xFFFFFFFF  }
0xad: {  	[dreg:$0x0] =	wrdreg $0x60  }
0xae: {  	[dreg:$0x2] =	wrdreg s24  }
0xaf: {  	[dreg:$0x3] =	wrdreg s2  }
0xb0: {  	[dreg:$0x4] =	wrdreg $0x68000  }
0xb1: {  	[dreg:$0x5] =	wrdreg $0x9  }
0xb2: {  	_ =	task.clear_ibuf [dreg:s7], $0x6FFFF;
	_ =	strace $0x90000049  }
0xb3: {  	s29 =	simm.s32 $0x9;
	_ =	strace $0x8000004B  }
0xb4: {  	_ =	swait.ge [sflag:s29], $0x1  }
0xb5: {  	[sflag:s29] =	ssyncadd.s32 $0xFFFFFFFF  }
0xb6: {  	_ =	strace $0x9000004B  }
0xb7: {  	_ =	sfence  }
0xb8: {  	s30 =	sld [smem:$0x0];
	_ =	sdelay $0x2  }
0xb9: {  	s31 =	sshll.u32 s1, $0xD;
	s1 =	sshrl.u32 s1, $0x2  }
0xba: {  	s3 =	sand.u32 $0x4000, s31;
	s1 =	sadd.s32 s1, s30  }
0xbb: {  	s0 =	sor.u32 s3, s0;
	s1 =	sshll.u32 s1, $0x11  }
0xbc: {  	s0 =	sor.u32 s1, s0  }
0xbd: {  	s0 =	sadd.s32 $0x8F2B, s0  }
0xbe: {  	[sflag:s0] =	ssyncadd.remote.s32 $0x1  }
0xbf: {  	_ =	sfence.sel $0xFFFF  }
0xc0: {  	[dreg:$0x0] =	wrdreg $0xFFFFFFFF;
	(pc) =	sbr.abs _section_cstart, $3  }
0xc1: {  	[dreg:$0x1] =	wrdreg $0xFFFFFFFF  }
0xc2: {  	_ =	task.clear_ibuf [dreg:s7], $0x2FFFF;
	_ =	strace $0x9FFFFFFF  }
0xc3: {  	(tm) =	ssettm $0x7FFFFFFF  }
tec
execute0_lowered:
.L_overlay_start_1:
0x0: {  	(tag) =	ssettag $0x1  }
0x1: {  	s6 =	rddreg [dreg:$0x0]  }
0x2: {  	s10 =	rddreg [dreg:$0x1]  }
0x3: {  	s2 =	rddreg [dreg:$0x2]  }
0x4: {  	s0 =	rddreg [dreg:$0x3]  }
0x5: {  	s3 =	simm.s32 $0x0;
	s4 =	srdreg.scid;
	s1 =	stileid.u32  }
0x6: {  	s16 =	simm.s32 $0x80;
	s17 =	simm.s32 $0x2800;
	s18 =	simm.s32 $0x4800  }
0x7: {  	s19 =	simm.s32 $0x1;
	s20 =	simm.s32 $0x2;
	s21 =	simm.s32 $0x1380  }
0x8: {  	s22 =	simm.s32 $0x2700;
	s23 =	simm.s32 $0x2780;
	s24 =	simm.s32 $0x0  }
0x9: {  	[smem:$0x7FF] =	sst s3;
	s7 =	sand.u32 $0x1, s4;
	s8 =	smul.u32 $0x14000, s1  }
0xa: {  	s4 =	sadd.s32 $0x17800, s6;
	s11 =	sadd.s32 $0x1C00, s6;
	s5 =	sadd.s32 $0x16400, s6  }
0xb: {  	s26 =	sshll.u32 s1, $0x6;
	_ =	strace $0x8000004A;
	s12 =	sshll.u32 s7, $0x4  }
0xc: {  	s9 =	smul.u32 $0x140000, s7;
	s7 =	ssub.s32 $0x2, s7;
	s12 =	sor.u32 s1, s12  }
0xd: {  	s13 =	sshrl.u32 s7, $0x1;
	s25 =	sshrl.u32 s8, $0x1;
	s14 =	smul.u32 $0x2800, s12  }
0xe: {  	s9 =	sadd.s32 s8, s9;
	s13 =	ssub.s32 s7, s13;
	s28 =	smul.u32 $0x500, s12  }
0xf: {  	s30 =	sadd.s32 s25, s2;
	s9 =	sshrl.u32 s9, $0x4;
	s12 =	smax.u32 s13, $0x1  }
0x10: {  	s13 =	sshrl.u32 s30, $0x3;
	s15 =	sadd.s32 s9, s6;
	s29 =	sshrl.u32 s14, $0x3  }
0x11: {  	s6 =	sor.u32 $0x1C03, s26;
	s7 =	sadd.s32 s11, s28;
	s31 =	sadd.s32 $0x280, s29  }
0x12: {  	s8 =	sadd.s32 s10, s28;
	s14 =	simm.s32 $0x3;
	s9 =	sadd.s32 s11, s31  }
0x13: {  	s10 =	sadd.s32 s10, s31;
	s11 =	sadd.s32 $0x2B200, s15;
	s15 =	simm.s32 $0x1400  }
.LBB2_1:
0x14: {  	[spmem:s13], [sflag:s6] =	dma.local [hbm:s5], $0x1400  }
0x15: {  	_ =	swait.ge [sflag:s14], $0x1400  }
0x16: {  	[sflag:s14] =	ssyncset.done $0x0  }
0x17: {  	[sflag:s14] =	ssyncadd.s32 $0xFFFFEC00  }
0x18: {  	[bflag:$0x0] =	sbarrier.arrive $0xFFFF  }
0x19: {  	[tilespmem:s3], [sflag:$0x3] =	stream.linear.gather [hbm4b:s7+s3], $0x1400, $0x38;
	[tilespmem:$0x10800] =	vst v63  }
0x1a: {  	_ =	swait.ge [sflag:s14], $0x1400  }
0x1b: {  	[sflag:s14] =	ssyncset.done $0x0  }
0x1c: {  	[sflag:s14] =	ssyncadd.s32 $0xFFFFEC00  }
0x1d: {  	[tilespmem:s15], [sflag:$0x3] =	stream.linear.gather [hbm4b:s8+s3], $0x1400, $0x38;
	[tilespmem:$0x10800] =	vst v63  }
0x1e: {  	_ =	swait.ge [sflag:s14], $0x1400  }
0x1f: {  	[sflag:s14] =	ssyncset.done $0x0  }
0x20: {  	[sflag:s14] =	ssyncadd.s32 $0xFFFFEC00  }
0x21: {  	[tilespmem:s17], [sflag:$0x1] =	stream.indirect.gather [hbm4b:s4+s16], $0x40, s3, s16, $0xb8;
	[tilespmem:$0x10800] =	vst v63  }
0x22: {  	s25 =	simm.s32 $0x80  }
0x23: {  	[tilespmem:s18], [sflag:$0x2] =	stream.indirect.gather [hbm4b:s4+s16], $0x40, s25, s16, $0xb8;
	[tilespmem:$0x10800] =	vst v63  }
0x24: {  	_ =	swait.ge [sflag:s19], $0x2000  }
0x25: {  	[sflag:s19] =	ssyncset.done $0x0  }
0x26: {  	s29 =	simm.s32 $0x1400;
	[sflag:s19] =	ssyncadd.s32 $0xFFFFE000  }
0x27: {  	[spmem:s2] =	stream.indirect.scatter.add.bf16 [tilespmem:s17], [sflag:$0x3], $0x40, s29, s16, $0xb8;
	[tilespmem:$0x10800] =	vst v63  }
0x28: {  	_ =	swait.ge [sflag:s14], $0x2000  }
0x29: {  	[sflag:s14] =	ssyncset.done $0x0  }
0x2a: {  	s30 =	simm.s32 $0x100;
	[sflag:s14] =	ssyncadd.s32 $0xFFFFE000  }
0x2b: {  	[tilespmem:s17], [sflag:$0x1] =	stream.indirect.gather [hbm4b:s4+s16], $0x40, s30, s16, $0xb8;
	[tilespmem:$0x10800] =	vst v63  }
0x2c: {  	_ =	swait.ge [sflag:s20], $0x2000  }
0x2d: {  	[sflag:s20] =	ssyncset.done $0x0  }
0x2e: {  	s31 =	simm.s32 $0x1480;
	[sflag:s20] =	ssyncadd.s32 $0xFFFFE000  }
0x2f: {  	[spmem:s2] =	stream.indirect.scatter.add.bf16 [tilespmem:s18], [sflag:$0x3], $0x40, s31, s16, $0xb8;
	[tilespmem:$0x10800] =	vst v63  }
0x30: {  	_ =	swait.ge [sflag:s14], $0x2000  }
0x31: {  	s26 =	simm.s32 $0x800;
	s25 =	simm.s32 $0x100;
	[sflag:s14] =	ssyncset.done $0x0  }
.LBB2_2:
0x32: {  	s28 =	sadd.s32 $0x80, s25  }
0x33: {  	[sflag:s14] =	ssyncadd.s32 $0xFFFFE000;
	s29 =	smov.u32 s26;
	s30 =	sadd.s32 $0x400, s26  }
0x34: {  	[tilespmem:s18], [sflag:$0x2] =	stream.indirect.gather [hbm4b:s4+s16], $0x40, s28, s16, $0xb8;
	[tilespmem:$0x10800] =	vst v63  }
0x35: {  	p0 =	sne.s32 s26, $0x4800;
	_ =	swait.ge [sflag:s19], $0x2000  }
0x36: {  	[sflag:s19] =	ssyncset.done $0x0  }
0x37: {  	s26 =	sadd.s32 $0x1400, s25;
	[sflag:s19] =	ssyncadd.s32 $0xFFFFE000  }
0x38: {  	[spmem:s2] =	stream.indirect.scatter.add.bf16 [tilespmem:s17], [sflag:$0x3], $0x40, s26, s16, $0xb8;
	[tilespmem:$0x10800] =	vst v63  }
0x39: {  	_ =	swait.ge [sflag:s14], $0x2000  }
0x3a: {  	[sflag:s14] =	ssyncset.done $0x0  }
0x3b: {  	s26 =	sadd.s32 $0x100, s25;
	[sflag:s14] =	ssyncadd.s32 $0xFFFFE000  }
0x3c: {  	[tilespmem:s17], [sflag:$0x1] =	stream.indirect.gather [hbm4b:s4+s16], $0x40, s26, s16, $0xb8;
	[tilespmem:$0x10800] =	vst v63  }
0x3d: {  	_ =	swait.ge [sflag:s20], $0x2000  }
.Ltmp0:
0x3e: {  	[sflag:s20] =	ssyncset.done $0x0;
	(pc) =	sbr.rel @p0 .LBB2_2-.Ltmp0, $4  }
0x3f: {  	s25 =	sadd.s32 $0x1480, s25;
	[sflag:s20] =	ssyncadd.s32 $0xFFFFE000  }
0x40: {  	[spmem:s2] =	stream.indirect.scatter.add.bf16 [tilespmem:s18], [sflag:$0x3], $0x40, s25, s16, $0xb8;
	[tilespmem:$0x10800] =	vst v63  }
0x41: {  	_ =	swait.ge [sflag:s14], $0x2000  }
0x42: {  	s26 =	smov.u32 s30;
	s25 =	sshra.s32 s29, $0x2;
	[sflag:s14] =	ssyncset.done $0x0  }
0x43: {  	s26 =	sadd.s32 $0x80, s25;
	[sflag:s14] =	ssyncadd.s32 $0xFFFFE000  }
0x44: {  	[tilespmem:s18], [sflag:$0x2] =	stream.indirect.gather [hbm4b:s4+s16], $0x40, s26, s16, $0xb8;
	[tilespmem:$0x10800] =	vst v63  }
0x45: {  	_ =	swait.ge [sflag:s19], $0x2000  }
0x46: {  	[sflag:s19] =	ssyncset.done $0x0  }
0x47: {  	s29 =	sadd.s32 $0x1400, s25;
	[sflag:s19] =	ssyncadd.s32 $0xFFFFE000  }
0x48: {  	[spmem:s2] =	stream.indirect.scatter.add.bf16 [tilespmem:s17], [sflag:$0x3], $0x40, s29, s16, $0xb8;
	[tilespmem:$0x10800] =	vst v63  }
0x49: {  	_ =	swait.ge [sflag:s14], $0x2000  }
0x4a: {  	[sflag:s14] =	ssyncset.done $0x0  }
0x4b: {  	s30 =	sadd.s32 $0x100, s25;
	[sflag:s14] =	ssyncadd.s32 $0xFFFFE000  }
0x4c: {  	[tilespmem:s17], [sflag:$0x1] =	stream.indirect.gather [hbm4b:s4+s16], $0x40, s30, s16, $0xb8;
	[tilespmem:$0x10800] =	vst v63  }
0x4d: {  	_ =	swait.ge [sflag:s20], $0x2000  }
0x4e: {  	[sflag:s20] =	ssyncset.done $0x0  }
0x4f: {  	s31 =	sadd.s32 $0x1480, s25;
	[sflag:s20] =	ssyncadd.s32 $0xFFFFE000  }
0x50: {  	[spmem:s2] =	stream.indirect.scatter.add.bf16 [tilespmem:s18], [sflag:$0x3], $0x40, s31, s16, $0xb8;
	[tilespmem:$0x10800] =	vst v63  }
0x51: {  	_ =	swait.ge [sflag:s14], $0x2000  }
0x52: {  	[sflag:s14] =	ssyncset.done $0x0  }
0x53: {  	[sflag:s14] =	ssyncadd.s32 $0xFFFFE000  }
0x54: {  	[tilespmem:s18], [sflag:$0x2] =	stream.indirect.gather [hbm4b:s4+s16], $0x40, s21, s16, $0xb8;
	[tilespmem:$0x10800] =	vst v63  }
0x55: {  	_ =	swait.ge [sflag:s19], $0x2000  }
0x56: {  	[sflag:s19] =	ssyncset.done $0x0  }
0x57: {  	[sflag:s19] =	ssyncadd.s32 $0xFFFFE000  }
0x58: {  	[spmem:s2] =	stream.indirect.scatter.add.bf16 [tilespmem:s17], [sflag:$0x3], $0x40, s22, s16, $0xb8;
	[tilespmem:$0x10800] =	vst v63  }
0x59: {  	_ =	swait.ge [sflag:s14], $0x2000  }
0x5a: {  	[sflag:s14] =	ssyncset.done $0x0  }
0x5b: {  	[sflag:s14] =	ssyncadd.s32 $0xFFFFE000  }
0x5c: {  	_ =	swait.ge [sflag:s20], $0x2000  }
0x5d: {  	[sflag:s20] =	ssyncset.done $0x0  }
0x5e: {  	[sflag:s20] =	ssyncadd.s32 $0xFFFFE000  }
0x5f: {  	[spmem:s2] =	stream.indirect.scatter.add.bf16 [tilespmem:s18], [sflag:$0x3], $0x40, s23, s16, $0xb8;
	[tilespmem:$0x10800] =	vst v63  }
0x60: {  	_ =	swait.ge [sflag:s14], $0x2000  }
0x61: {  	[sflag:s14] =	ssyncset.done $0x0  }
0x62: {  	s26 =	simm.s32 $0x0;
	[sflag:s14] =	ssyncadd.s32 $0xFFFFE000  }
0x63: {  	[tilespmem:s26], [sflag:$0x3] =	stream.linear.gather [hbm4b:s9+s26], $0x1400, $0x38;
	[tilespmem:$0x10800] =	vst v63  }
0x64: {  	_ =	swait.ge [sflag:s14], $0x1400  }
0x65: {  	[sflag:s14] =	ssyncset.done $0x0  }
0x66: {  	[sflag:s14] =	ssyncadd.s32 $0xFFFFEC00  }
0x67: {  	[tilespmem:s15], [sflag:$0x3] =	stream.linear.gather [hbm4b:s10+s26], $0x1400, $0x38;
	[tilespmem:$0x10800] =	vst v63  }
0x68: {  	_ =	swait.ge [sflag:s14], $0x1400  }
0x69: {  	[sflag:s14] =	ssyncset.done $0x0  }
0x6a: {  	[sflag:s14] =	ssyncadd.s32 $0xFFFFEC00  }
0x6b: {  	[tilespmem:s17], [sflag:$0x1] =	stream.indirect.gather [hbm4b:s4+s16], $0x40, s26, s16, $0xb8;
	[tilespmem:$0x10800] =	vst v63  }
0x6c: {  	s28 =	simm.s32 $0x80  }
0x6d: {  	[tilespmem:s18], [sflag:$0x2] =	stream.indirect.gather [hbm4b:s4+s16], $0x40, s28, s16, $0xb8;
	[tilespmem:$0x10800] =	vst v63  }
0x6e: {  	_ =	swait.ge [sflag:s19], $0x2000  }
0x6f: {  	[sflag:s19] =	ssyncset.done $0x0  }
0x70: {  	s29 =	simm.s32 $0x1400;
	[sflag:s19] =	ssyncadd.s32 $0xFFFFE000  }
0x71: {  	[spmem:s2] =	stream.indirect.scatter.add.bf16 [tilespmem:s17], [sflag:$0x3], $0x40, s29, s16, $0xb8;
	[tilespmem:$0x10800] =	vst v63  }
0x72: {  	_ =	swait.ge [sflag:s14], $0x2000  }
0x73: {  	[sflag:s14] =	ssyncset.done $0x0  }
0x74: {  	s30 =	simm.s32 $0x100;
	[sflag:s14] =	ssyncadd.s32 $0xFFFFE000  }
0x75: {  	[tilespmem:s17], [sflag:$0x1] =	stream.indirect.gather [hbm4b:s4+s16], $0x40, s30, s16, $0xb8;
	[tilespmem:$0x10800] =	vst v63  }
0x76: {  	_ =	swait.ge [sflag:s20], $0x2000  }
0x77: {  	[sflag:s20] =	ssyncset.done $0x0  }
0x78: {  	s31 =	simm.s32 $0x1480;
	[sflag:s20] =	ssyncadd.s32 $0xFFFFE000  }
0x79: {  	[spmem:s2] =	stream.indirect.scatter.add.bf16 [tilespmem:s18], [sflag:$0x3], $0x40, s31, s16, $0xb8;
	[tilespmem:$0x10800] =	vst v63  }
0x7a: {  	_ =	swait.ge [sflag:s14], $0x2000  }
0x7b: {  	s25 =	simm.s32 $0x100;
	s26 =	simm.s32 $0x800;
	[sflag:s14] =	ssyncset.done $0x0  }
.LBB2_4:
0x7c: {  	s28 =	sadd.s32 $0x80, s25  }
0x7d: {  	[sflag:s14] =	ssyncadd.s32 $0xFFFFE000;
	s29 =	smov.u32 s26;
	s30 =	sadd.s32 $0x400, s26  }
0x7e: {  	[tilespmem:s18], [sflag:$0x2] =	stream.indirect.gather [hbm4b:s4+s16], $0x40, s28, s16, $0xb8;
	[tilespmem:$0x10800] =	vst v63  }
0x7f: {  	p0 =	sne.s32 s26, $0x4800;
	_ =	swait.ge [sflag:s19], $0x2000  }
0x80: {  	[sflag:s19] =	ssyncset.done $0x0  }
0x81: {  	s26 =	sadd.s32 $0x1400, s25;
	[sflag:s19] =	ssyncadd.s32 $0xFFFFE000  }
0x82: {  	[spmem:s2] =	stream.indirect.scatter.add.bf16 [tilespmem:s17], [sflag:$0x3], $0x40, s26, s16, $0xb8;
	[tilespmem:$0x10800] =	vst v63  }
0x83: {  	_ =	swait.ge [sflag:s14], $0x2000  }
0x84: {  	[sflag:s14] =	ssyncset.done $0x0  }
0x85: {  	s26 =	sadd.s32 $0x100, s25;
	[sflag:s14] =	ssyncadd.s32 $0xFFFFE000  }
0x86: {  	[tilespmem:s17], [sflag:$0x1] =	stream.indirect.gather [hbm4b:s4+s16], $0x40, s26, s16, $0xb8;
	[tilespmem:$0x10800] =	vst v63  }
0x87: {  	_ =	swait.ge [sflag:s20], $0x2000  }
.Ltmp1:
0x88: {  	[sflag:s20] =	ssyncset.done $0x0;
	(pc) =	sbr.rel @p0 .LBB2_4-.Ltmp1, $4  }
0x89: {  	s25 =	sadd.s32 $0x1480, s25;
	[sflag:s20] =	ssyncadd.s32 $0xFFFFE000  }
0x8a: {  	[spmem:s2] =	stream.indirect.scatter.add.bf16 [tilespmem:s18], [sflag:$0x3], $0x40, s25, s16, $0xb8;
	[tilespmem:$0x10800] =	vst v63  }
0x8b: {  	_ =	swait.ge [sflag:s14], $0x2000  }
0x8c: {  	s26 =	smov.u32 s30;
	s25 =	sshra.s32 s29, $0x2;
	[sflag:s14] =	ssyncset.done $0x0  }
0x8d: {  	s26 =	sadd.s32 $0x80, s25;
	[sflag:s14] =	ssyncadd.s32 $0xFFFFE000  }
0x8e: {  	[tilespmem:s18], [sflag:$0x2] =	stream.indirect.gather [hbm4b:s4+s16], $0x40, s26, s16, $0xb8;
	[tilespmem:$0x10800] =	vst v63  }
0x8f: {  	_ =	swait.ge [sflag:s19], $0x2000  }
0x90: {  	[sflag:s19] =	ssyncset.done $0x0  }
0x91: {  	s29 =	sadd.s32 $0x1400, s25;
	[sflag:s19] =	ssyncadd.s32 $0xFFFFE000  }
0x92: {  	[spmem:s2] =	stream.indirect.scatter.add.bf16 [tilespmem:s17], [sflag:$0x3], $0x40, s29, s16, $0xb8;
	[tilespmem:$0x10800] =	vst v63  }
0x93: {  	_ =	swait.ge [sflag:s14], $0x2000  }
0x94: {  	[sflag:s14] =	ssyncset.done $0x0  }
0x95: {  	s30 =	sadd.s32 $0x100, s25;
	[sflag:s14] =	ssyncadd.s32 $0xFFFFE000  }
0x96: {  	[tilespmem:s17], [sflag:$0x1] =	stream.indirect.gather [hbm4b:s4+s16], $0x40, s30, s16, $0xb8;
	[tilespmem:$0x10800] =	vst v63  }
0x97: {  	_ =	swait.ge [sflag:s20], $0x2000  }
0x98: {  	[sflag:s20] =	ssyncset.done $0x0  }
0x99: {  	s31 =	sadd.s32 $0x1480, s25;
	[sflag:s20] =	ssyncadd.s32 $0xFFFFE000  }
0x9a: {  	[spmem:s2] =	stream.indirect.scatter.add.bf16 [tilespmem:s18], [sflag:$0x3], $0x40, s31, s16, $0xb8;
	[tilespmem:$0x10800] =	vst v63  }
0x9b: {  	_ =	swait.ge [sflag:s14], $0x2000  }
0x9c: {  	[sflag:s14] =	ssyncset.done $0x0  }
0x9d: {  	[sflag:s14] =	ssyncadd.s32 $0xFFFFE000  }
0x9e: {  	[tilespmem:s18], [sflag:$0x2] =	stream.indirect.gather [hbm4b:s4+s16], $0x40, s21, s16, $0xb8;
	[tilespmem:$0x10800] =	vst v63  }
0x9f: {  	_ =	swait.ge [sflag:s19], $0x2000  }
0xa0: {  	[sflag:s19] =	ssyncset.done $0x0  }
0xa1: {  	[sflag:s19] =	ssyncadd.s32 $0xFFFFE000  }
0xa2: {  	[spmem:s2] =	stream.indirect.scatter.add.bf16 [tilespmem:s17], [sflag:$0x3], $0x40, s22, s16, $0xb8;
	[tilespmem:$0x10800] =	vst v63  }
0xa3: {  	_ =	swait.ge [sflag:s14], $0x2000  }
0xa4: {  	[sflag:s14] =	ssyncset.done $0x0  }
0xa5: {  	[sflag:s14] =	ssyncadd.s32 $0xFFFFE000  }
0xa6: {  	_ =	swait.ge [sflag:s20], $0x2000  }
0xa7: {  	[sflag:s20] =	ssyncset.done $0x0  }
0xa8: {  	[sflag:s20] =	ssyncadd.s32 $0xFFFFE000  }
0xa9: {  	[spmem:s2] =	stream.indirect.scatter.add.bf16 [tilespmem:s18], [sflag:$0x3], $0x40, s23, s16, $0xb8;
	[tilespmem:$0x10800] =	vst v63  }
0xaa: {  	_ =	swait.ge [sflag:s14], $0x2000  }
0xab: {  	s24 =	sadd.s32 $0x1, s24;
	[sflag:s14] =	ssyncset.done $0x0  }
0xac: {  	p0 =	sne.s32 s24, s12;
	[sflag:s14] =	ssyncadd.s32 $0xFFFFE000  }
.Ltmp2:
0xad: {  	[bflag:$0x0] =	sbarrier.arrive $0xFFFF;
	(pc) =	sbr.rel @p0 .LBB2_1-.Ltmp2, $4  }
0xae: {  	[hbm:s11], [sflag:s6] =	dma.local [spmem:s13], $0x1400  }
0xaf: {  	_ =	swait.ge [sflag:s14], $0x1400  }
0xb0: {  	[sflag:s14] =	ssyncset.done $0x0  }
0xb1: {  	[sflag:s14] =	ssyncadd.s32 $0xFFFFEC00  }
0xb2: {  	_ =	sfence.sel $0x180000  }
0xb3: {  	[bflag:$0x0] =	sbarrier.arrive $0xFFFF  }
0xb4: {  	p0 =	sne.s32 s1, $0x0;
	_ =	strace $0x9000004A  }
0xb5: {  	s0 =	sadd.s32 @!p0 $0x100000, s0;
	[bflag:$0x2] =	sbarrier.arrive $0xFFFF  }
0xb6: {  	[sflag:s0] =	ssyncadd.tile.s32 @!p0 $0x1;
	_ =	shalt  }
.Lfunc_end2:
_tile_overlayer_lowered:
.L_overlay_start_2:
0xb7: {  	(tag) =	ssettag $0x2  }
0xb8: {  	s0 =	rddreg [dreg:$0x0];
	s2 =	stileid.u32  }
0xb9: {  	s1 =	rddreg [dreg:$0x1];
	p0 =	sne.s32 s2, $0x0  }
0xba: {  	s3 =	rddreg [dreg:$0x2];
	[bflag:$0x3] =	sbarrier.arrive $0xFFFF;
	s2 =	simm.s32 @!p0 $0x1C03  }
0xbb: {  	[timem:s3], [sflag:s2] =	dma.local @!p0 [hbm:s0], s1  }
0xbc: {  	s0 =	simm.s32 @!p0 $0x3  }
0xbd: {  	_ =	swait.ge @!p0 [sflag:s0], s1  }
0xbe: {  	s1 =	ssub.s32 @!p0 $0x0, s1;
	[sflag:s0] =	ssyncset.done @!p0 $0x0  }
0xbf: {  	[sflag:s0] =	ssyncadd.s32 @!p0 s1  }
0xc0: {  	[bflag:$0x3] =	sbarrier.arrive $0xFFFF  }
0xc1: {  	_ =	shalt  }

// kernel: kernel.15.cloned.1.call-start
scs
__scs_entry_jumppad:
0x0: {  	(pc) =	sbr.rel $0x88, $3  }
0x1: {  	(tag) =	ssettag $0x0;
	lr =	simm.s32 $0x1  }
0x2: {  	[smem:$0x3F99] =	sst lr;
	_ =	strace $0xD0000000  }
0x3: {  	_ = 	snop  }
0x4: {  	_ = 	snop  }
0x5: {  	_ = 	snop  }
0x6: {  	_ = 	snop  }
0x7: {  	_ = 	snop  }
__scs_overlays_trampoline_lowered:
0x8: {  	[smem:$0x3FA8] =	sst s0  }
0x9: {  	[smem:$0x3FA9] =	sst s1  }
0xa: {  	[smem:$0x3FAA] =	sst s2  }
0xb: {  	[smem:$0x3FAB] =	sst s3  }
0xc: {  	[smem:$0x3FAC] =	sst s4  }
0xd: {  	[smem:$0x3FAD] =	sst s5  }
0xe: {  	[smem:$0x3FAE] =	sst s6  }
0xf: {  	[smem:$0x3FAF] =	sst s7  }
0x10: {  	[smem:$0x3FB0] =	sst s8  }
0x11: {  	[smem:$0x3FB1] =	sst s9;
	s0 =	simm.s32 @!p0 $0x0  }
0x12: {  	s1 =	sld [smem:$0x3F97];
	s0 =	simm.s32 @p0 $0x1  }
0x13: {  	[smem:$0x3FB2] =	sst s0;
	s0 =	simm.s32 @!p1 $0x0  }
0x14: {  	s2 =	sld [smem:$0x3F96];
	s0 =	simm.s32 @p1 $0x1  }
0x15: {  	[smem:$0x3FB3] =	sst s0;
	s0 =	simm.s32 @!p2 $0x0  }
0x16: {  	s3 =	sld [smem:$0x3FDB];
	s0 =	simm.s32 @p2 $0x1  }
0x17: {  	s4 =	simm.s32 $0x1BF5;
	[smem:$0x3FB5] =	sst s0  }
0x18: {  	s0 =	sld [smem:$0x3F98];
	_ =	swait.ge [sflag:s4], $0x0  }
0x19: {  	s7 =	sld [smem:$0x3F99]  }
0x1a: {  	s8 =	sadd.s32 $0xFFFFE003, lr  }
0x1b: {  	s9 =	sadd.s32 $0xFFFFFEF7, lr;
	s5 =	simm.s32 $0xFFFFFFFF;
	p2 =	slt.u32 s8, $0xFFFFF086  }
0x1c: {  	p1 =	slt.u32 s9, $0xF7A;
	s5 =	simm.s32 @!p2 $0x0  }
0x1d: {  	s5 =	simm.s32 @p1 $0x1;
	p0 =	seq.s32 s7, s2  }
0x1e: {  	s7 =	smul.u32 @!p0 $0xF7A, s2;
	p2 =	seq.s32 @!p0 s5, $0x0  }
0x1f: {  	s9 =	smul.u32 $0xF7A, s1;
	s8 =	simm.s32 @!p0 $0x1BF5;
	p2 =	por !p2, p0  }
0x20: {  	[sflag:s8] =	ssyncset.s32 @!p0 $0xFFFFF086;
	s6 =	sadd.s32 @!p0 s3, s7;
	s7 =	simm.s32 @!p0 $0x108  }
0x21: {  	s3 =	sadd.s32 s3, s9;
	s6 =	sadd.s32 @!p0 $0x88, s6;
	s7 =	simm.s32 @p2 $0x1082  }
0x22: {  	[simem:s7], [sflag:s8] =	dma.local @!p0 [hbm:s6], $0xF7A  }
0x23: {  	s9 =	sor.u32 $0xD0000000, s2;
	s6 =	simm.s32 $0x108;
	_ =	swait.ge @!p0 [sflag:s8], $0x0  }
0x24: {  	s3 =	sadd.s32 $0x88, s3;
	s6 =	simm.s32 @!p1 $0x1082;
	[sflag:s4] =	ssyncset.s32 $0xFFFFF086  }
0x25: {  	[simem:s6], [sflag:s4] =	dma.local [hbm:s3], $0xF7A  }
0x26: {  	[smem:$0x3F99] =	sst s1;
	(tag) =	ssettag s2;
	_ =	strace s9  }
0x27: {  	s1 =	sld [smem:$0x3FA9]  }
0x28: {  	s2 =	sld [smem:$0x3FAA]  }
0x29: {  	s4 =	sld [smem:$0x3FAC]  }
0x2a: {  	p0 =	seq.s32 s5, $0x0;
	s5 =	sld [smem:$0x3FAD]  }
0x2b: {  	s6 =	sld [smem:$0x3FAE]  }
0x2c: {  	s7 =	sld [smem:$0x3FAF]  }
0x2d: {  	s3 =	simm.s32 $0x108;
	s8 =	sld [smem:$0x3FB0]  }
0x2e: {  	s3 =	simm.s32 @!p0 $0x1082;
	s9 =	sld [smem:$0x3FB1]  }
0x2f: {  	lr =	sadd.s32 s0, s3;
	s0 =	sld [smem:$0x3FA8]  }
0x30: {  	s3 =	sld [smem:$0x3FAB]  }
0x31: {  	[smem:$0x3FB4] =	sst s10  }
0x32: {  	s10 =	sld [smem:$0x3FB2];
	_ =	sdelay $0x3  }
0x33: {  	p0 =	seq.s32 s10, $0x1;
	s10 =	sld [smem:$0x3FB4];
	_ =	sdelay $0x3  }
0x34: {  	[smem:$0x3FB4] =	sst s10  }
0x35: {  	s10 =	sld [smem:$0x3FB3];
	_ =	sdelay $0x3  }
0x36: {  	p1 =	seq.s32 s10, $0x1;
	s10 =	sld [smem:$0x3FB4];
	_ =	sdelay $0x3  }
0x37: {  	[smem:$0x3FB4] =	sst s10  }
0x38: {  	s10 =	sld [smem:$0x3FB5]  }
0x39: {  	_ = 	snop;
	(pc) =	sbr.ind lr, $3  }
0x3a: {  	_ = 	snop  }
0x3b: {  	_ = 	snop  }
0x3c: {  	p2 =	seq.s32 s10, $0x1;
	s10 =	sld [smem:$0x3FB4]  }
0x3d: {  	_ =	shalt  }
0x3e: {  	_ =	shalt  }
0x3f: {  	_ =	shalt  }
0x40: {  	_ =	shalt  }
0x41: {  	_ =	shalt  }
0x42: {  	_ =	shalt  }
0x43: {  	_ =	shalt  }
0x44: {  	_ =	shalt  }
0x45: {  	_ =	shalt  }
0x46: {  	_ =	shalt  }
0x47: {  	_ =	shalt  }
0x48: {  	_ =	shalt  }
0x49: {  	_ =	shalt  }
0x4a: {  	_ =	shalt  }
0x4b: {  	_ =	shalt  }
0x4c: {  	_ =	shalt  }
0x4d: {  	_ =	shalt  }
0x4e: {  	_ =	shalt  }
0x4f: {  	_ =	shalt  }
0x50: {  	_ =	shalt  }
0x51: {  	_ =	shalt  }
0x52: {  	_ =	shalt  }
0x53: {  	_ =	shalt  }
0x54: {  	_ =	shalt  }
0x55: {  	_ =	shalt  }
0x56: {  	_ =	shalt  }
0x57: {  	_ =	shalt  }
0x58: {  	_ =	shalt  }
0x59: {  	_ =	shalt  }
0x5a: {  	_ =	shalt  }
0x5b: {  	_ =	shalt  }
0x5c: {  	_ =	shalt  }
0x5d: {  	_ =	shalt  }
0x5e: {  	_ =	shalt  }
0x5f: {  	_ =	shalt  }
0x60: {  	_ =	shalt  }
0x61: {  	_ =	shalt  }
0x62: {  	_ =	shalt  }
0x63: {  	_ =	shalt  }
0x64: {  	_ =	shalt  }
0x65: {  	_ =	shalt  }
0x66: {  	_ =	shalt  }
0x67: {  	_ =	shalt  }
0x68: {  	_ =	shalt  }
0x69: {  	_ =	shalt  }
0x6a: {  	_ =	shalt  }
0x6b: {  	_ =	shalt  }
0x6c: {  	_ =	shalt  }
0x6d: {  	_ =	shalt  }
0x6e: {  	_ =	shalt  }
0x6f: {  	_ =	shalt  }
0x70: {  	_ =	shalt  }
0x71: {  	_ =	shalt  }
0x72: {  	_ =	shalt  }
0x73: {  	_ =	shalt  }
0x74: {  	_ =	shalt  }
0x75: {  	_ =	shalt  }
0x76: {  	_ =	shalt  }
0x77: {  	_ =	shalt  }
0x78: {  	_ =	shalt  }
0x79: {  	_ =	shalt  }
0x7a: {  	_ =	shalt  }
0x7b: {  	_ =	shalt  }
0x7c: {  	_ =	shalt  }
0x7d: {  	_ =	shalt  }
0x7e: {  	_ =	shalt  }
0x7f: {  	_ =	shalt  }
0x80: {  	_ =	shalt  }
0x81: {  	_ =	shalt  }
0x82: {  	_ =	shalt  }
0x83: {  	_ =	shalt  }
0x84: {  	_ =	shalt  }
0x85: {  	_ =	shalt  }
0x86: {  	_ =	shalt  }
0x87: {  	_ =	shalt  }
.Lfunc_end0:
.L_simem_size_0:
called_computation.2_lowered:
.L_overlay_start_0:
0x88: {  	s2 =	sld [smem:$0x3FD9]  }
0x89: {  	s3 =	sld [smem:$0x3FFE];
	_ =	sdelay $0x1  }
0x8a: {  	s1 =	srdreg.scid  }
0x8b: {  	s0 =	sand.u32 $0x1, s1  }
0x8c: {  	s17 =	sshll.u32 s0, $0xA;
	s2 =	sadd.s32 s3, s2  }
0x8d: {  	s2 =	sadd.s32 s2, s17  }
0x8e: {  	[smem:$0x3FC0] =	sst s2  }
0x8f: {  	_ = 	snop  }
0x90: {  	s2 =	sld [smem:$0x3FD0];
	(tm) =	ssettm $0x1  }
0x91: {  	s18 =	sld [smem:$0x3FFB];
	_ =	sdelay $0x3  }
0x92: {  	_ =	strace s18  }
0x93: {  	s3 =	sld [smem:$0x3FFC];
	_ =	sdelay $0x3  }
0x94: {  	_ =	strace s3  }
0x95: {  	s3 =	sld [smem:$0x3FFD];
	_ =	sdelay $0x3  }
0x96: {  	_ =	strace s3  }
0x97: {  	_ =	strace $0x8FFFFFFF  }
0x98: {  	s19 =	sld [smem:$0x3FDB];
	_ =	sdelay $0x1  }
0x99: {  	s4 =	simm.s32 $_scs_section_size  }
0x9a: {  	s5 =	simm.s32 $_size__tile_overlayer_lowered;
	s6 =	simm.s32 $_tile_overlayer_lowered  }
0x9b: {  	s22 =	simm.s32 $0x1BFF;
	s21 =	sshll.u32 s6, $0x1;
	s3 =	sadd.s32 s4, s19  }
0x9c: {  	s7 =	simm.s32 $0x0;
	s20 =	sshll.u32 s5, $0x1;
	s5 =	sadd.s32 s21, s3  }
0x9d: {  	[timem:s7], [sflag:s22] =	dma.local [hbm:s5], s20  }
0x9e: {  	_ =	swait.ge [sflag:s22], s20  }
0x9f: {  	s4 =	ssub.s32 $0x0, s20;
	[sflag:s22] =	ssyncset.done $0x0  }
0xa0: {  	[sflag:s22] =	ssyncadd.s32 s4;
	_ =	sdelay $0x1  }
0xa1: {  	s23 =	simm.s32 $0x1B8B  }
0xa2: {  	_ =	swait.ge [sflag:s23], $0x1  }
0xa3: {  	[sflag:s23] =	ssyncset.done $0x0  }
0xa4: {  	s25 =	simm.s32 $0x1B8E;
	s24 =	sld [smem:$0x3FFE];
	[sflag:s23] =	ssyncadd.s32 $0xFFFFFFFF  }
0xa5: {  	s26 =	simm.s32 $execute0_lowered;
	[smem:$0x3FD2] =	sst s25  }
0xa6: {  	s5 =	sshll.u32 s26, $0x1;
	_ =	strace $0x8000004C;
	[dreg:$0x1] =	wrdreg $0xFFFFFFFF  }
0xa7: {  	s28 =	simm.s32 $_size_execute0_lowered;
	s3 =	sadd.s32 s3, s5;
	[dreg:$0x0] =	wrdreg $0x0  }
0xa8: {  	s5 =	sshll.u32 s28, $0x1;
	[dreg:$0x2] =	wrdreg s3  }
0xa9: {  	[dreg:$0x3] =	wrdreg s5  }
0xaa: {  	[dreg:$0x4] =	wrdreg $0xC0  }
0xab: {  	_ =	task [dreg:s7], $0x5FFFF  }
0xac: {  	[dreg:$0x1] =	wrdreg $0xFFFFFFFF  }
0xad: {  	[dreg:$0x0] =	wrdreg $0x60  }
0xae: {  	[dreg:$0x2] =	wrdreg s24  }
0xaf: {  	[dreg:$0x3] =	wrdreg s2  }
0xb0: {  	[dreg:$0x4] =	wrdreg $0x48000  }
0xb1: {  	[dreg:$0x5] =	wrdreg $0x9  }
0xb2: {  	_ =	task.clear_ibuf [dreg:s7], $0x6FFFF;
	_ =	strace $0x9000004C  }
0xb3: {  	s29 =	simm.s32 $0x9;
	_ =	strace $0x8000004E  }
0xb4: {  	_ =	swait.ge [sflag:s29], $0x1  }
0xb5: {  	[sflag:s29] =	ssyncadd.s32 $0xFFFFFFFF  }
0xb6: {  	_ =	strace $0x9000004E  }
0xb7: {  	_ =	sfence  }
0xb8: {  	s30 =	sld [smem:$0x0];
	_ =	sdelay $0x2  }
0xb9: {  	s31 =	sshll.u32 s1, $0xD;
	s1 =	sshrl.u32 s1, $0x2  }
0xba: {  	s3 =	sand.u32 $0x4000, s31;
	s1 =	sadd.s32 s1, s30  }
0xbb: {  	s0 =	sor.u32 s3, s0;
	s1 =	sshll.u32 s1, $0x11  }
0xbc: {  	s0 =	sor.u32 s1, s0  }
0xbd: {  	s0 =	sadd.s32 $0x8F2B, s0  }
0xbe: {  	[sflag:s0] =	ssyncadd.remote.s32 $0x1  }
0xbf: {  	_ =	sfence.sel $0xFFFF  }
0xc0: {  	[dreg:$0x0] =	wrdreg $0xFFFFFFFF;
	(pc) =	sbr.abs _section_cstart, $3  }
0xc1: {  	[dreg:$0x1] =	wrdreg $0xFFFFFFFF  }
0xc2: {  	_ =	task.clear_ibuf [dreg:s7], $0x2FFFF;
	_ =	strace $0x9FFFFFFF  }
0xc3: {  	(tm) =	ssettm $0x7FFFFFFF  }
tec
execute0_lowered:
.L_overlay_start_1:
0x0: {  	(tag) =	ssettag $0x1  }
0x1: {  	s6 =	rddreg [dreg:$0x0]  }
0x2: {  	s10 =	rddreg [dreg:$0x1]  }
0x3: {  	s2 =	rddreg [dreg:$0x2]  }
0x4: {  	s0 =	rddreg [dreg:$0x3]  }
0x5: {  	s3 =	simm.s32 $0x0;
	s4 =	srdreg.scid;
	s1 =	stileid.u32  }
0x6: {  	s16 =	simm.s32 $0x80;
	s17 =	simm.s32 $0x2800;
	s18 =	simm.s32 $0x3800  }
0x7: {  	s19 =	simm.s32 $0x1;
	s20 =	simm.s32 $0x2;
	s21 =	simm.s32 $0x1380  }
0x8: {  	s22 =	simm.s32 $0x2700;
	s23 =	simm.s32 $0x2780;
	s24 =	simm.s32 $0x0  }
0x9: {  	[smem:$0x7FF] =	sst s3;
	s7 =	sand.u32 $0x1, s4;
	s8 =	smul.u32 $0xA000, s1  }
0xa: {  	s4 =	sadd.s32 $0xC600, s6;
	s11 =	sadd.s32 $0x1C00, s6;
	s5 =	sadd.s32 $0xBC00, s6  }
0xb: {  	s26 =	sshll.u32 s1, $0x6;
	_ =	strace $0x8000004D;
	s12 =	sshll.u32 s7, $0x4  }
0xc: {  	s9 =	smul.u32 $0xA0000, s7;
	s7 =	ssub.s32 $0x2, s7;
	s12 =	sor.u32 s1, s12  }
0xd: {  	s13 =	sshrl.u32 s7, $0x1;
	s25 =	sshrl.u32 s8, $0x1;
	s14 =	smul.u32 $0x2800, s12  }
0xe: {  	s9 =	sadd.s32 s8, s9;
	s13 =	ssub.s32 s7, s13;
	s28 =	smul.u32 $0x500, s12  }
0xf: {  	s30 =	sadd.s32 s25, s2;
	s9 =	sshrl.u32 s9, $0x4;
	s12 =	smax.u32 s13, $0x1  }
0x10: {  	s13 =	sshrl.u32 s30, $0x3;
	s15 =	sadd.s32 s9, s6;
	s29 =	sshrl.u32 s14, $0x3  }
0x11: {  	s6 =	sor.u32 $0x1C03, s26;
	s7 =	sadd.s32 s11, s28;
	s31 =	sadd.s32 $0x280, s29  }
0x12: {  	s8 =	sadd.s32 s10, s28;
	s14 =	simm.s32 $0x3;
	s9 =	sadd.s32 s11, s31  }
0x13: {  	s10 =	sadd.s32 s10, s31;
	s11 =	sadd.s32 $0x16400, s15;
	s15 =	simm.s32 $0x1400  }
.LBB2_1:
0x14: {  	[spmem:s13], [sflag:s6] =	dma.local [hbm:s5], $0xA00  }
0x15: {  	_ =	swait.ge [sflag:s14], $0xA00  }
0x16: {  	[sflag:s14] =	ssyncset.done $0x0  }
0x17: {  	[sflag:s14] =	ssyncadd.s32 $0xFFFFF600  }
0x18: {  	[bflag:$0x0] =	sbarrier.arrive $0xFFFF  }
0x19: {  	[tilespmem:s3], [sflag:$0x3] =	stream.linear.gather [hbm4b:s7+s3], $0x1400, $0x38;
	[tilespmem:$0x9800] =	vst v63  }
0x1a: {  	_ =	swait.ge [sflag:s14], $0x1400  }
0x1b: {  	[sflag:s14] =	ssyncset.done $0x0  }
0x1c: {  	[sflag:s14] =	ssyncadd.s32 $0xFFFFEC00  }
0x1d: {  	[tilespmem:s15], [sflag:$0x3] =	stream.linear.gather [hbm4b:s8+s3], $0x1400, $0x38;
	[tilespmem:$0x9800] =	vst v63  }
0x1e: {  	_ =	swait.ge [sflag:s14], $0x1400  }
0x1f: {  	[sflag:s14] =	ssyncset.done $0x0  }
0x20: {  	[sflag:s14] =	ssyncadd.s32 $0xFFFFEC00  }
0x21: {  	[tilespmem:s17], [sflag:$0x1] =	stream.indirect.gather [hbm4b:s4+s16], $0x20, s3, s16, $0xb8;
	[tilespmem:$0x9800] =	vst v63  }
0x22: {  	s25 =	simm.s32 $0x80  }
0x23: {  	[tilespmem:s18], [sflag:$0x2] =	stream.indirect.gather [hbm4b:s4+s16], $0x20, s25, s16, $0xb8;
	[tilespmem:$0x9800] =	vst v63  }
0x24: {  	_ =	swait.ge [sflag:s19], $0x1000  }
0x25: {  	[sflag:s19] =	ssyncset.done $0x0  }
0x26: {  	s29 =	simm.s32 $0x1400;
	[sflag:s19] =	ssyncadd.s32 $0xFFFFF000  }
0x27: {  	[spmem:s2] =	stream.indirect.scatter.add.bf16 [tilespmem:s17], [sflag:$0x3], $0x20, s29, s16, $0xb8;
	[tilespmem:$0x9800] =	vst v63  }
0x28: {  	_ =	swait.ge [sflag:s14], $0x1000  }
0x29: {  	[sflag:s14] =	ssyncset.done $0x0  }
0x2a: {  	s30 =	simm.s32 $0x100;
	[sflag:s14] =	ssyncadd.s32 $0xFFFFF000  }
0x2b: {  	[tilespmem:s17], [sflag:$0x1] =	stream.indirect.gather [hbm4b:s4+s16], $0x20, s30, s16, $0xb8;
	[tilespmem:$0x9800] =	vst v63  }
0x2c: {  	_ =	swait.ge [sflag:s20], $0x1000  }
0x2d: {  	[sflag:s20] =	ssyncset.done $0x0  }
0x2e: {  	s31 =	simm.s32 $0x1480;
	[sflag:s20] =	ssyncadd.s32 $0xFFFFF000  }
0x2f: {  	[spmem:s2] =	stream.indirect.scatter.add.bf16 [tilespmem:s18], [sflag:$0x3], $0x20, s31, s16, $0xb8;
	[tilespmem:$0x9800] =	vst v63  }
0x30: {  	_ =	swait.ge [sflag:s14], $0x1000  }
0x31: {  	s26 =	simm.s32 $0x800;
	s25 =	simm.s32 $0x100;
	[sflag:s14] =	ssyncset.done $0x0  }
.LBB2_2:
0x32: {  	s28 =	sadd.s32 $0x80, s25  }
0x33: {  	[sflag:s14] =	ssyncadd.s32 $0xFFFFF000;
	s29 =	smov.u32 s26;
	s30 =	sadd.s32 $0x400, s26  }
0x34: {  	[tilespmem:s18], [sflag:$0x2] =	stream.indirect.gather [hbm4b:s4+s16], $0x20, s28, s16, $0xb8;
	[tilespmem:$0x9800] =	vst v63  }
0x35: {  	p0 =	sne.s32 s26, $0x4800;
	_ =	swait.ge [sflag:s19], $0x1000  }
0x36: {  	[sflag:s19] =	ssyncset.done $0x0  }
0x37: {  	s26 =	sadd.s32 $0x1400, s25;
	[sflag:s19] =	ssyncadd.s32 $0xFFFFF000  }
0x38: {  	[spmem:s2] =	stream.indirect.scatter.add.bf16 [tilespmem:s17], [sflag:$0x3], $0x20, s26, s16, $0xb8;
	[tilespmem:$0x9800] =	vst v63  }
0x39: {  	_ =	swait.ge [sflag:s14], $0x1000  }
0x3a: {  	[sflag:s14] =	ssyncset.done $0x0  }
0x3b: {  	s26 =	sadd.s32 $0x100, s25;
	[sflag:s14] =	ssyncadd.s32 $0xFFFFF000  }
0x3c: {  	[tilespmem:s17], [sflag:$0x1] =	stream.indirect.gather [hbm4b:s4+s16], $0x20, s26, s16, $0xb8;
	[tilespmem:$0x9800] =	vst v63  }
0x3d: {  	_ =	swait.ge [sflag:s20], $0x1000  }
.Ltmp0:
0x3e: {  	[sflag:s20] =	ssyncset.done $0x0;
	(pc) =	sbr.rel @p0 .LBB2_2-.Ltmp0, $4  }
0x3f: {  	s25 =	sadd.s32 $0x1480, s25;
	[sflag:s20] =	ssyncadd.s32 $0xFFFFF000  }
0x40: {  	[spmem:s2] =	stream.indirect.scatter.add.bf16 [tilespmem:s18], [sflag:$0x3], $0x20, s25, s16, $0xb8;
	[tilespmem:$0x9800] =	vst v63  }
0x41: {  	_ =	swait.ge [sflag:s14], $0x1000  }
0x42: {  	s26 =	smov.u32 s30;
	s25 =	sshra.s32 s29, $0x2;
	[sflag:s14] =	ssyncset.done $0x0  }
0x43: {  	s26 =	sadd.s32 $0x80, s25;
	[sflag:s14] =	ssyncadd.s32 $0xFFFFF000  }
0x44: {  	[tilespmem:s18], [sflag:$0x2] =	stream.indirect.gather [hbm4b:s4+s16], $0x20, s26, s16, $0xb8;
	[tilespmem:$0x9800] =	vst v63  }
0x45: {  	_ =	swait.ge [sflag:s19], $0x1000  }
0x46: {  	[sflag:s19] =	ssyncset.done $0x0  }
0x47: {  	s29 =	sadd.s32 $0x1400, s25;
	[sflag:s19] =	ssyncadd.s32 $0xFFFFF000  }
0x48: {  	[spmem:s2] =	stream.indirect.scatter.add.bf16 [tilespmem:s17], [sflag:$0x3], $0x20, s29, s16, $0xb8;
	[tilespmem:$0x9800] =	vst v63  }
0x49: {  	_ =	swait.ge [sflag:s14], $0x1000  }
0x4a: {  	[sflag:s14] =	ssyncset.done $0x0  }
0x4b: {  	s30 =	sadd.s32 $0x100, s25;
	[sflag:s14] =	ssyncadd.s32 $0xFFFFF000  }
0x4c: {  	[tilespmem:s17], [sflag:$0x1] =	stream.indirect.gather [hbm4b:s4+s16], $0x20, s30, s16, $0xb8;
	[tilespmem:$0x9800] =	vst v63  }
0x4d: {  	_ =	swait.ge [sflag:s20], $0x1000  }
0x4e: {  	[sflag:s20] =	ssyncset.done $0x0  }
0x4f: {  	s31 =	sadd.s32 $0x1480, s25;
	[sflag:s20] =	ssyncadd.s32 $0xFFFFF000  }
0x50: {  	[spmem:s2] =	stream.indirect.scatter.add.bf16 [tilespmem:s18], [sflag:$0x3], $0x20, s31, s16, $0xb8;
	[tilespmem:$0x9800] =	vst v63  }
0x51: {  	_ =	swait.ge [sflag:s14], $0x1000  }
0x52: {  	[sflag:s14] =	ssyncset.done $0x0  }
0x53: {  	[sflag:s14] =	ssyncadd.s32 $0xFFFFF000  }
0x54: {  	[tilespmem:s18], [sflag:$0x2] =	stream.indirect.gather [hbm4b:s4+s16], $0x20, s21, s16, $0xb8;
	[tilespmem:$0x9800] =	vst v63  }
0x55: {  	_ =	swait.ge [sflag:s19], $0x1000  }
0x56: {  	[sflag:s19] =	ssyncset.done $0x0  }
0x57: {  	[sflag:s19] =	ssyncadd.s32 $0xFFFFF000  }
0x58: {  	[spmem:s2] =	stream.indirect.scatter.add.bf16 [tilespmem:s17], [sflag:$0x3], $0x20, s22, s16, $0xb8;
	[tilespmem:$0x9800] =	vst v63  }
0x59: {  	_ =	swait.ge [sflag:s14], $0x1000  }
0x5a: {  	[sflag:s14] =	ssyncset.done $0x0  }
0x5b: {  	[sflag:s14] =	ssyncadd.s32 $0xFFFFF000  }
0x5c: {  	_ =	swait.ge [sflag:s20], $0x1000  }
0x5d: {  	[sflag:s20] =	ssyncset.done $0x0  }
0x5e: {  	[sflag:s20] =	ssyncadd.s32 $0xFFFFF000  }
0x5f: {  	[spmem:s2] =	stream.indirect.scatter.add.bf16 [tilespmem:s18], [sflag:$0x3], $0x20, s23, s16, $0xb8;
	[tilespmem:$0x9800] =	vst v63  }
0x60: {  	_ =	swait.ge [sflag:s14], $0x1000  }
0x61: {  	[sflag:s14] =	ssyncset.done $0x0  }
0x62: {  	s26 =	simm.s32 $0x0;
	[sflag:s14] =	ssyncadd.s32 $0xFFFFF000  }
0x63: {  	[tilespmem:s26], [sflag:$0x3] =	stream.linear.gather [hbm4b:s9+s26], $0x1400, $0x38;
	[tilespmem:$0x9800] =	vst v63  }
0x64: {  	_ =	swait.ge [sflag:s14], $0x1400  }
0x65: {  	[sflag:s14] =	ssyncset.done $0x0  }
0x66: {  	[sflag:s14] =	ssyncadd.s32 $0xFFFFEC00  }
0x67: {  	[tilespmem:s15], [sflag:$0x3] =	stream.linear.gather [hbm4b:s10+s26], $0x1400, $0x38;
	[tilespmem:$0x9800] =	vst v63  }
0x68: {  	_ =	swait.ge [sflag:s14], $0x1400  }
0x69: {  	[sflag:s14] =	ssyncset.done $0x0  }
0x6a: {  	[sflag:s14] =	ssyncadd.s32 $0xFFFFEC00  }
0x6b: {  	[tilespmem:s17], [sflag:$0x1] =	stream.indirect.gather [hbm4b:s4+s16], $0x20, s26, s16, $0xb8;
	[tilespmem:$0x9800] =	vst v63  }
0x6c: {  	s28 =	simm.s32 $0x80  }
0x6d: {  	[tilespmem:s18], [sflag:$0x2] =	stream.indirect.gather [hbm4b:s4+s16], $0x20, s28, s16, $0xb8;
	[tilespmem:$0x9800] =	vst v63  }
0x6e: {  	_ =	swait.ge [sflag:s19], $0x1000  }
0x6f: {  	[sflag:s19] =	ssyncset.done $0x0  }
0x70: {  	s29 =	simm.s32 $0x1400;
	[sflag:s19] =	ssyncadd.s32 $0xFFFFF000  }
0x71: {  	[spmem:s2] =	stream.indirect.scatter.add.bf16 [tilespmem:s17], [sflag:$0x3], $0x20, s29, s16, $0xb8;
	[tilespmem:$0x9800] =	vst v63  }
0x72: {  	_ =	swait.ge [sflag:s14], $0x1000  }
0x73: {  	[sflag:s14] =	ssyncset.done $0x0  }
0x74: {  	s30 =	simm.s32 $0x100;
	[sflag:s14] =	ssyncadd.s32 $0xFFFFF000  }
0x75: {  	[tilespmem:s17], [sflag:$0x1] =	stream.indirect.gather [hbm4b:s4+s16], $0x20, s30, s16, $0xb8;
	[tilespmem:$0x9800] =	vst v63  }
0x76: {  	_ =	swait.ge [sflag:s20], $0x1000  }
0x77: {  	[sflag:s20] =	ssyncset.done $0x0  }
0x78: {  	s31 =	simm.s32 $0x1480;
	[sflag:s20] =	ssyncadd.s32 $0xFFFFF000  }
0x79: {  	[spmem:s2] =	stream.indirect.scatter.add.bf16 [tilespmem:s18], [sflag:$0x3], $0x20, s31, s16, $0xb8;
	[tilespmem:$0x9800] =	vst v63  }
0x7a: {  	_ =	swait.ge [sflag:s14], $0x1000  }
0x7b: {  	s25 =	simm.s32 $0x100;
	s26 =	simm.s32 $0x800;
	[sflag:s14] =	ssyncset.done $0x0  }
.LBB2_4:
0x7c: {  	s28 =	sadd.s32 $0x80, s25  }
0x7d: {  	[sflag:s14] =	ssyncadd.s32 $0xFFFFF000;
	s29 =	smov.u32 s26;
	s30 =	sadd.s32 $0x400, s26  }
0x7e: {  	[tilespmem:s18], [sflag:$0x2] =	stream.indirect.gather [hbm4b:s4+s16], $0x20, s28, s16, $0xb8;
	[tilespmem:$0x9800] =	vst v63  }
0x7f: {  	p0 =	sne.s32 s26, $0x4800;
	_ =	swait.ge [sflag:s19], $0x1000  }
0x80: {  	[sflag:s19] =	ssyncset.done $0x0  }
0x81: {  	s26 =	sadd.s32 $0x1400, s25;
	[sflag:s19] =	ssyncadd.s32 $0xFFFFF000  }
0x82: {  	[spmem:s2] =	stream.indirect.scatter.add.bf16 [tilespmem:s17], [sflag:$0x3], $0x20, s26, s16, $0xb8;
	[tilespmem:$0x9800] =	vst v63  }
0x83: {  	_ =	swait.ge [sflag:s14], $0x1000  }
0x84: {  	[sflag:s14] =	ssyncset.done $0x0  }
0x85: {  	s26 =	sadd.s32 $0x100, s25;
	[sflag:s14] =	ssyncadd.s32 $0xFFFFF000  }
0x86: {  	[tilespmem:s17], [sflag:$0x1] =	stream.indirect.gather [hbm4b:s4+s16], $0x20, s26, s16, $0xb8;
	[tilespmem:$0x9800] =	vst v63  }
0x87: {  	_ =	swait.ge [sflag:s20], $0x1000  }
.Ltmp1:
0x88: {  	[sflag:s20] =	ssyncset.done $0x0;
	(pc) =	sbr.rel @p0 .LBB2_4-.Ltmp1, $4  }
0x89: {  	s25 =	sadd.s32 $0x1480, s25;
	[sflag:s20] =	ssyncadd.s32 $0xFFFFF000  }
0x8a: {  	[spmem:s2] =	stream.indirect.scatter.add.bf16 [tilespmem:s18], [sflag:$0x3], $0x20, s25, s16, $0xb8;
	[tilespmem:$0x9800] =	vst v63  }
0x8b: {  	_ =	swait.ge [sflag:s14], $0x1000  }
0x8c: {  	s26 =	smov.u32 s30;
	s25 =	sshra.s32 s29, $0x2;
	[sflag:s14] =	ssyncset.done $0x0  }
0x8d: {  	s26 =	sadd.s32 $0x80, s25;
	[sflag:s14] =	ssyncadd.s32 $0xFFFFF000  }
0x8e: {  	[tilespmem:s18], [sflag:$0x2] =	stream.indirect.gather [hbm4b:s4+s16], $0x20, s26, s16, $0xb8;
	[tilespmem:$0x9800] =	vst v63  }
0x8f: {  	_ =	swait.ge [sflag:s19], $0x1000  }
0x90: {  	[sflag:s19] =	ssyncset.done $0x0  }
0x91: {  	s29 =	sadd.s32 $0x1400, s25;
	[sflag:s19] =	ssyncadd.s32 $0xFFFFF000  }
0x92: {  	[spmem:s2] =	stream.indirect.scatter.add.bf16 [tilespmem:s17], [sflag:$0x3], $0x20, s29, s16, $0xb8;
	[tilespmem:$0x9800] =	vst v63  }
0x93: {  	_ =	swait.ge [sflag:s14], $0x1000  }
0x94: {  	[sflag:s14] =	ssyncset.done $0x0  }
0x95: {  	s30 =	sadd.s32 $0x100, s25;
	[sflag:s14] =	ssyncadd.s32 $0xFFFFF000  }
0x96: {  	[tilespmem:s17], [sflag:$0x1] =	stream.indirect.gather [hbm4b:s4+s16], $0x20, s30, s16, $0xb8;
	[tilespmem:$0x9800] =	vst v63  }
0x97: {  	_ =	swait.ge [sflag:s20], $0x1000  }
0x98: {  	[sflag:s20] =	ssyncset.done $0x0  }
0x99: {  	s31 =	sadd.s32 $0x1480, s25;
	[sflag:s20] =	ssyncadd.s32 $0xFFFFF000  }
0x9a: {  	[spmem:s2] =	stream.indirect.scatter.add.bf16 [tilespmem:s18], [sflag:$0x3], $0x20, s31, s16, $0xb8;
	[tilespmem:$0x9800] =	vst v63  }
0x9b: {  	_ =	swait.ge [sflag:s14], $0x1000  }
0x9c: {  	[sflag:s14] =	ssyncset.done $0x0  }
0x9d: {  	[sflag:s14] =	ssyncadd.s32 $0xFFFFF000  }
0x9e: {  	[tilespmem:s18], [sflag:$0x2] =	stream.indirect.gather [hbm4b:s4+s16], $0x20, s21, s16, $0xb8;
	[tilespmem:$0x9800] =	vst v63  }
0x9f: {  	_ =	swait.ge [sflag:s19], $0x1000  }
0xa0: {  	[sflag:s19] =	ssyncset.done $0x0  }
0xa1: {  	[sflag:s19] =	ssyncadd.s32 $0xFFFFF000  }
0xa2: {  	[spmem:s2] =	stream.indirect.scatter.add.bf16 [tilespmem:s17], [sflag:$0x3], $0x20, s22, s16, $0xb8;
	[tilespmem:$0x9800] =	vst v63  }
0xa3: {  	_ =	swait.ge [sflag:s14], $0x1000  }
0xa4: {  	[sflag:s14] =	ssyncset.done $0x0  }
0xa5: {  	[sflag:s14] =	ssyncadd.s32 $0xFFFFF000  }
0xa6: {  	_ =	swait.ge [sflag:s20], $0x1000  }
0xa7: {  	[sflag:s20] =	ssyncset.done $0x0  }
0xa8: {  	[sflag:s20] =	ssyncadd.s32 $0xFFFFF000  }
0xa9: {  	[spmem:s2] =	stream.indirect.scatter.add.bf16 [tilespmem:s18], [sflag:$0x3], $0x20, s23, s16, $0xb8;
	[tilespmem:$0x9800] =	vst v63  }
0xaa: {  	_ =	swait.ge [sflag:s14], $0x1000  }
0xab: {  	s24 =	sadd.s32 $0x1, s24;
	[sflag:s14] =	ssyncset.done $0x0  }
0xac: {  	p0 =	sne.s32 s24, s12;
	[sflag:s14] =	ssyncadd.s32 $0xFFFFF000  }
.Ltmp2:
0xad: {  	[bflag:$0x0] =	sbarrier.arrive $0xFFFF;
	(pc) =	sbr.rel @p0 .LBB2_1-.Ltmp2, $4  }
0xae: {  	[hbm:s11], [sflag:s6] =	dma.local [spmem:s13], $0xA00  }
0xaf: {  	_ =	swait.ge [sflag:s14], $0xA00  }
0xb0: {  	[sflag:s14] =	ssyncset.done $0x0  }
0xb1: {  	[sflag:s14] =	ssyncadd.s32 $0xFFFFF600  }
0xb2: {  	_ =	sfence.sel $0x180000  }
0xb3: {  	[bflag:$0x0] =	sbarrier.arrive $0xFFFF  }
0xb4: {  	p0 =	sne.s32 s1, $0x0;
	_ =	strace $0x9000004D  }
0xb5: {  	s0 =	sadd.s32 @!p0 $0x100000, s0;
	[bflag:$0x2] =	sbarrier.arrive $0xFFFF  }
0xb6: {  	[sflag:s0] =	ssyncadd.tile.s32 @!p0 $0x1;
	_ =	shalt  }
.Lfunc_end2:
_tile_overlayer_lowered:
.L_overlay_start_2:
0xb7: {  	(tag) =	ssettag $0x2  }
0xb8: {  	s0 =	rddreg [dreg:$0x0];
	s2 =	stileid.u32  }
0xb9: {  	s1 =	rddreg [dreg:$0x1];
	p0 =	sne.s32 s2, $0x0  }
0xba: {  	s3 =	rddreg [dreg:$0x2];
	[bflag:$0x3] =	sbarrier.arrive $0xFFFF;
	s2 =	simm.s32 @!p0 $0x1C03  }
0xbb: {  	[timem:s3], [sflag:s2] =	dma.local @!p0 [hbm:s0], s1  }
0xbc: {  	s0 =	simm.s32 @!p0 $0x3  }
0xbd: {  	_ =	swait.ge @!p0 [sflag:s0], s1  }
0xbe: {  	s1 =	ssub.s32 @!p0 $0x0, s1;
	[sflag:s0] =	ssyncset.done @!p0 $0x0  }
0xbf: {  	[sflag:s0] =	ssyncadd.s32 @!p0 s1  }
0xc0: {  	[bflag:$0x3] =	sbarrier.arrive $0xFFFF  }
0xc1: {  	_ =	shalt  }

// kernel: kernel.9.cloned.1.call-start
scs
__scs_entry_jumppad:
0x0: {  	(pc) =	sbr.rel $0x88, $3  }
0x1: {  	(tag) =	ssettag $0x0;
	lr =	simm.s32 $0x1  }
0x2: {  	[smem:$0x3F99] =	sst lr;
	_ =	strace $0xD0000000  }
0x3: {  	_ = 	snop  }
0x4: {  	_ = 	snop  }
0x5: {  	_ = 	snop  }
0x6: {  	_ = 	snop  }
0x7: {  	_ = 	snop  }
__scs_overlays_trampoline_lowered:
0x8: {  	[smem:$0x3FA8] =	sst s0  }
0x9: {  	[smem:$0x3FA9] =	sst s1  }
0xa: {  	[smem:$0x3FAA] =	sst s2  }
0xb: {  	[smem:$0x3FAB] =	sst s3  }
0xc: {  	[smem:$0x3FAC] =	sst s4  }
0xd: {  	[smem:$0x3FAD] =	sst s5  }
0xe: {  	[smem:$0x3FAE] =	sst s6  }
0xf: {  	[smem:$0x3FAF] =	sst s7  }
0x10: {  	[smem:$0x3FB0] =	sst s8  }
0x11: {  	[smem:$0x3FB1] =	sst s9;
	s0 =	simm.s32 @!p0 $0x0  }
0x12: {  	s1 =	sld [smem:$0x3F97];
	s0 =	simm.s32 @p0 $0x1  }
0x13: {  	[smem:$0x3FB2] =	sst s0;
	s0 =	simm.s32 @!p1 $0x0  }
0x14: {  	s2 =	sld [smem:$0x3F96];
	s0 =	simm.s32 @p1 $0x1  }
0x15: {  	[smem:$0x3FB3] =	sst s0;
	s0 =	simm.s32 @!p2 $0x0  }
0x16: {  	s3 =	sld [smem:$0x3FDB];
	s0 =	simm.s32 @p2 $0x1  }
0x17: {  	s4 =	simm.s32 $0x1BF5;
	[smem:$0x3FB5] =	sst s0  }
0x18: {  	s0 =	sld [smem:$0x3F98];
	_ =	swait.ge [sflag:s4], $0x0  }
0x19: {  	s7 =	sld [smem:$0x3F99]  }
0x1a: {  	s8 =	sadd.s32 $0xFFFFE003, lr  }
0x1b: {  	s9 =	sadd.s32 $0xFFFFFEF7, lr;
	s5 =	simm.s32 $0xFFFFFFFF;
	p2 =	slt.u32 s8, $0xFFFFF086  }
0x1c: {  	p1 =	slt.u32 s9, $0xF7A;
	s5 =	simm.s32 @!p2 $0x0  }
0x1d: {  	s5 =	simm.s32 @p1 $0x1;
	p0 =	seq.s32 s7, s2  }
0x1e: {  	s7 =	smul.u32 @!p0 $0xF7A, s2;
	p2 =	seq.s32 @!p0 s5, $0x0  }
0x1f: {  	s9 =	smul.u32 $0xF7A, s1;
	s8 =	simm.s32 @!p0 $0x1BF5;
	p2 =	por !p2, p0  }
0x20: {  	[sflag:s8] =	ssyncset.s32 @!p0 $0xFFFFF086;
	s6 =	sadd.s32 @!p0 s3, s7;
	s7 =	simm.s32 @!p0 $0x108  }
0x21: {  	s3 =	sadd.s32 s3, s9;
	s6 =	sadd.s32 @!p0 $0x88, s6;
	s7 =	simm.s32 @p2 $0x1082  }
0x22: {  	[simem:s7], [sflag:s8] =	dma.local @!p0 [hbm:s6], $0xF7A  }
0x23: {  	s9 =	sor.u32 $0xD0000000, s2;
	s6 =	simm.s32 $0x108;
	_ =	swait.ge @!p0 [sflag:s8], $0x0  }
0x24: {  	s3 =	sadd.s32 $0x88, s3;
	s6 =	simm.s32 @!p1 $0x1082;
	[sflag:s4] =	ssyncset.s32 $0xFFFFF086  }
0x25: {  	[simem:s6], [sflag:s4] =	dma.local [hbm:s3], $0xF7A  }
0x26: {  	[smem:$0x3F99] =	sst s1;
	(tag) =	ssettag s2;
	_ =	strace s9  }
0x27: {  	s1 =	sld [smem:$0x3FA9]  }
0x28: {  	s2 =	sld [smem:$0x3FAA]  }
0x29: {  	s4 =	sld [smem:$0x3FAC]  }
0x2a: {  	p0 =	seq.s32 s5, $0x0;
	s5 =	sld [smem:$0x3FAD]  }
0x2b: {  	s6 =	sld [smem:$0x3FAE]  }
0x2c: {  	s7 =	sld [smem:$0x3FAF]  }
0x2d: {  	s3 =	simm.s32 $0x108;
	s8 =	sld [smem:$0x3FB0]  }
0x2e: {  	s3 =	simm.s32 @!p0 $0x1082;
	s9 =	sld [smem:$0x3FB1]  }
0x2f: {  	lr =	sadd.s32 s0, s3;
	s0 =	sld [smem:$0x3FA8]  }
0x30: {  	s3 =	sld [smem:$0x3FAB]  }
0x31: {  	[smem:$0x3FB4] =	sst s10  }
0x32: {  	s10 =	sld [smem:$0x3FB2];
	_ =	sdelay $0x3  }
0x33: {  	p0 =	seq.s32 s10, $0x1;
	s10 =	sld [smem:$0x3FB4];
	_ =	sdelay $0x3  }
0x34: {  	[smem:$0x3FB4] =	sst s10  }
0x35: {  	s10 =	sld [smem:$0x3FB3];
	_ =	sdelay $0x3  }
0x36: {  	p1 =	seq.s32 s10, $0x1;
	s10 =	sld [smem:$0x3FB4];
	_ =	sdelay $0x3  }
0x37: {  	[smem:$0x3FB4] =	sst s10  }
0x38: {  	s10 =	sld [smem:$0x3FB5]  }
0x39: {  	_ = 	snop;
	(pc) =	sbr.ind lr, $3  }
0x3a: {  	_ = 	snop  }
0x3b: {  	_ = 	snop  }
0x3c: {  	p2 =	seq.s32 s10, $0x1;
	s10 =	sld [smem:$0x3FB4]  }
0x3d: {  	_ =	shalt  }
0x3e: {  	_ =	shalt  }
0x3f: {  	_ =	shalt  }
0x40: {  	_ =	shalt  }
0x41: {  	_ =	shalt  }
0x42: {  	_ =	shalt  }
0x43: {  	_ =	shalt  }
0x44: {  	_ =	shalt  }
0x45: {  	_ =	shalt  }
0x46: {  	_ =	shalt  }
0x47: {  	_ =	shalt  }
0x48: {  	_ =	shalt  }
0x49: {  	_ =	shalt  }
0x4a: {  	_ =	shalt  }
0x4b: {  	_ =	shalt  }
0x4c: {  	_ =	shalt  }
0x4d: {  	_ =	shalt  }
0x4e: {  	_ =	shalt  }
0x4f: {  	_ =	shalt  }
0x50: {  	_ =	shalt  }
0x51: {  	_ =	shalt  }
0x52: {  	_ =	shalt  }
0x53: {  	_ =	shalt  }
0x54: {  	_ =	shalt  }
0x55: {  	_ =	shalt  }
0x56: {  	_ =	shalt  }
0x57: {  	_ =	shalt  }
0x58: {  	_ =	shalt  }
0x59: {  	_ =	shalt  }
0x5a: {  	_ =	shalt  }
0x5b: {  	_ =	shalt  }
0x5c: {  	_ =	shalt  }
0x5d: {  	_ =	shalt  }
0x5e: {  	_ =	shalt  }
0x5f: {  	_ =	shalt  }
0x60: {  	_ =	shalt  }
0x61: {  	_ =	shalt  }
0x62: {  	_ =	shalt  }
0x63: {  	_ =	shalt  }
0x64: {  	_ =	shalt  }
0x65: {  	_ =	shalt  }
0x66: {  	_ =	shalt  }
0x67: {  	_ =	shalt  }
0x68: {  	_ =	shalt  }
0x69: {  	_ =	shalt  }
0x6a: {  	_ =	shalt  }
0x6b: {  	_ =	shalt  }
0x6c: {  	_ =	shalt  }
0x6d: {  	_ =	shalt  }
0x6e: {  	_ =	shalt  }
0x6f: {  	_ =	shalt  }
0x70: {  	_ =	shalt  }
0x71: {  	_ =	shalt  }
0x72: {  	_ =	shalt  }
0x73: {  	_ =	shalt  }
0x74: {  	_ =	shalt  }
0x75: {  	_ =	shalt  }
0x76: {  	_ =	shalt  }
0x77: {  	_ =	shalt  }
0x78: {  	_ =	shalt  }
0x79: {  	_ =	shalt  }
0x7a: {  	_ =	shalt  }
0x7b: {  	_ =	shalt  }
0x7c: {  	_ =	shalt  }
0x7d: {  	_ =	shalt  }
0x7e: {  	_ =	shalt  }
0x7f: {  	_ =	shalt  }
0x80: {  	_ =	shalt  }
0x81: {  	_ =	shalt  }
0x82: {  	_ =	shalt  }
0x83: {  	_ =	shalt  }
0x84: {  	_ =	shalt  }
0x85: {  	_ =	shalt  }
0x86: {  	_ =	shalt  }
0x87: {  	_ =	shalt  }
.Lfunc_end0:
.L_simem_size_0:
called_computation_lowered:
.L_overlay_start_0:
0x88: {  	s2 =	sld [smem:$0x3FD9]  }
0x89: {  	s3 =	sld [smem:$0x3FFE];
	_ =	sdelay $0x1  }
0x8a: {  	s1 =	srdreg.scid  }
0x8b: {  	s0 =	sand.u32 $0x1, s1  }
0x8c: {  	s17 =	sshll.u32 s0, $0xA;
	s2 =	sadd.s32 s3, s2  }
0x8d: {  	s2 =	sadd.s32 s2, s17  }
0x8e: {  	[smem:$0x3FC0] =	sst s2  }
0x8f: {  	_ = 	snop  }
0x90: {  	s2 =	sld [smem:$0x3FD0];
	(tm) =	ssettm $0x1  }
0x91: {  	s18 =	sld [smem:$0x3FFB];
	_ =	sdelay $0x3  }
0x92: {  	_ =	strace s18  }
0x93: {  	s3 =	sld [smem:$0x3FFC];
	_ =	sdelay $0x3  }
0x94: {  	_ =	strace s3  }
0x95: {  	s3 =	sld [smem:$0x3FFD];
	_ =	sdelay $0x3  }
0x96: {  	_ =	strace s3  }
0x97: {  	_ =	strace $0x8FFFFFFF  }
0x98: {  	s19 =	sld [smem:$0x3FDB];
	_ =	sdelay $0x1  }
0x99: {  	s4 =	simm.s32 $_scs_section_size  }
0x9a: {  	s5 =	simm.s32 $_size__tile_overlayer_lowered;
	s6 =	simm.s32 $_tile_overlayer_lowered  }
0x9b: {  	s22 =	simm.s32 $0x1BFF;
	s21 =	sshll.u32 s6, $0x1;
	s3 =	sadd.s32 s4, s19  }
0x9c: {  	s7 =	simm.s32 $0x0;
	s20 =	sshll.u32 s5, $0x1;
	s5 =	sadd.s32 s21, s3  }
0x9d: {  	[timem:s7], [sflag:s22] =	dma.local [hbm:s5], s20  }
0x9e: {  	_ =	swait.ge [sflag:s22], s20  }
0x9f: {  	s4 =	ssub.s32 $0x0, s20;
	[sflag:s22] =	ssyncset.done $0x0  }
0xa0: {  	[sflag:s22] =	ssyncadd.s32 s4;
	_ =	sdelay $0x1  }
0xa1: {  	s23 =	simm.s32 $0x1B8B  }
0xa2: {  	_ =	swait.ge [sflag:s23], $0x1  }
0xa3: {  	[sflag:s23] =	ssyncset.done $0x0  }
0xa4: {  	s25 =	simm.s32 $0x1B8E;
	s24 =	sld [smem:$0x3FFE];
	[sflag:s23] =	ssyncadd.s32 $0xFFFFFFFF  }
0xa5: {  	s26 =	simm.s32 $execute0_lowered;
	[smem:$0x3FD2] =	sst s25  }
0xa6: {  	s5 =	sshll.u32 s26, $0x1;
	_ =	strace $0x80000046;
	[dreg:$0x1] =	wrdreg $0xFFFFFFFF  }
0xa7: {  	s28 =	simm.s32 $_size_execute0_lowered;
	s3 =	sadd.s32 s3, s5;
	[dreg:$0x0] =	wrdreg $0x0  }
0xa8: {  	s5 =	sshll.u32 s28, $0x1;
	[dreg:$0x2] =	wrdreg s3  }
0xa9: {  	[dreg:$0x3] =	wrdreg s5  }
0xaa: {  	[dreg:$0x4] =	wrdreg $0xC0  }
0xab: {  	_ =	task [dreg:s7], $0x5FFFF  }
0xac: {  	[dreg:$0x1] =	wrdreg $0xFFFFFFFF  }
0xad: {  	[dreg:$0x0] =	wrdreg $0x60  }
0xae: {  	[dreg:$0x2] =	wrdreg s2  }
0xaf: {  	[dreg:$0x3] =	wrdreg s24  }
0xb0: {  	[dreg:$0x4] =	wrdreg $0x30000  }
0xb1: {  	[dreg:$0x5] =	wrdreg $0x9  }
0xb2: {  	_ =	task.clear_ibuf [dreg:s7], $0x6FFFF;
	_ =	strace $0x90000046  }
0xb3: {  	s29 =	simm.s32 $0x9;
	_ =	strace $0x80000048  }
0xb4: {  	_ =	swait.ge [sflag:s29], $0x1  }
0xb5: {  	[sflag:s29] =	ssyncadd.s32 $0xFFFFFFFF  }
0xb6: {  	_ =	strace $0x90000048  }
0xb7: {  	_ =	sfence  }
0xb8: {  	s30 =	sld [smem:$0x0];
	_ =	sdelay $0x2  }
0xb9: {  	s31 =	sshll.u32 s1, $0xD;
	s1 =	sshrl.u32 s1, $0x2  }
0xba: {  	s3 =	sand.u32 $0x4000, s31;
	s1 =	sadd.s32 s1, s30  }
0xbb: {  	s0 =	sor.u32 s3, s0;
	s1 =	sshll.u32 s1, $0x11  }
0xbc: {  	s0 =	sor.u32 s1, s0  }
0xbd: {  	s0 =	sadd.s32 $0x8F2B, s0  }
0xbe: {  	[sflag:s0] =	ssyncadd.remote.s32 $0x1  }
0xbf: {  	_ =	sfence.sel $0xFFFF  }
0xc0: {  	[dreg:$0x0] =	wrdreg $0xFFFFFFFF;
	(pc) =	sbr.abs _section_cstart, $3  }
0xc1: {  	[dreg:$0x1] =	wrdreg $0xFFFFFFFF  }
0xc2: {  	_ =	task.clear_ibuf [dreg:s7], $0x2FFFF;
	_ =	strace $0x9FFFFFFF  }
0xc3: {  	(tm) =	ssettm $0x7FFFFFFF  }
tec
execute0_lowered:
.L_overlay_start_1:
0x0: {  	(tag) =	ssettag $0x1  }
0x1: {  	s6 =	rddreg [dreg:$0x0]  }
0x2: {  	s7 =	rddreg [dreg:$0x1]  }
0x3: {  	s2 =	rddreg [dreg:$0x2]  }
0x4: {  	s0 =	rddreg [dreg:$0x3]  }
0x5: {  	s4 =	srdreg.scid;
	s1 =	stileid.u32;
	s3 =	simm.s32 $0x0  }
0x6: {  	s13 =	simm.s32 $0x80;
	s14 =	simm.s32 $0x0;
	s5 =	sand.u32 $0x1, s4  }
0x7: {  	s8 =	smul.u32 $0x2800, s1;
	[smem:$0x7FF] =	sst s3;
	s4 =	sadd.s32 $0xC200, s7  }
0x8: {  	s31 =	sshll.u32 s1, $0x6;
	s9 =	smul.u32 $0x28000, s5;
	_ =	strace $0x80000047  }
0x9: {  	s10 =	sshll.u32 s5, $0x4;
	s11 =	ssub.s32 $0x2, s5;
	s5 =	sadd.s32 $0xBC00, s7  }
0xa: {  	s10 =	sor.u32 s1, s10;
	s30 =	sshrl.u32 s11, $0x1;
	s9 =	sadd.s32 s8, s9  }
0xb: {  	s12 =	sadd.s32 s8, s2;
	s10 =	smul.u32 $0x500, s10;
	s9 =	sshrl.u32 s9, $0x3  }
0xc: {  	s12 =	sshrl.u32 s12, $0x3;
	s7 =	sadd.s32 s9, s7;
	s9 =	ssub.s32 s11, s30  }
0xd: {  	s6 =	sadd.s32 s6, s10;
	s10 =	simm.s32 $0x1;
	s11 =	sor.u32 $0x1C01, s31  }
0xe: {  	s7 =	sadd.s32 $0xC400, s7;
	s8 =	smax.u32 s9, $0x1;
	s9 =	simm.s32 $0x2800  }
.LBB2_1:
0xf: {  	[tilespmem:s9], [sflag:$0x1] =	stream.linear.gather [hbm4b:s4+s3], $0x800, $0x38;
	[tilespmem:$0x5800] =	vst v63  }
0x10: {  	_ =	swait.ge [sflag:s10], $0x800  }
0x11: {  	[sflag:s10] =	ssyncset.done $0x0  }
0x12: {  	[sflag:s10] =	ssyncadd.s32 $0xFFFFF800  }
0x13: {  	[spmem:s12], [sflag:s11] =	dma.local [hbm:s5], $0x500  }
0x14: {  	_ =	swait.ge [sflag:s10], $0x500  }
0x15: {  	[sflag:s10] =	ssyncset.done $0x0  }
0x16: {  	[sflag:s10] =	ssyncadd.s32 $0xFFFFFB00  }
0x17: {  	[bflag:$0x0] =	sbarrier.arrive $0xFFFF  }
0x18: {  	[tilespmem:s3], [sflag:$0x1] =	stream.linear.gather [hbm4b:s6+s3], $0x2800, $0x38;
	[tilespmem:$0x5800] =	vst v63  }
0x19: {  	_ =	swait.ge [sflag:s10], $0x2800  }
0x1a: {  	[sflag:s10] =	ssyncset.done $0x0  }
0x1b: {  	s15 =	simm.s32 $0x0;
	[sflag:s10] =	ssyncadd.s32 $0xFFFFD800  }
0x1c: {  	[spmem:s2] =	stream.indirect.scatter.add.f32 [tilespmem:s9], [sflag:$0x1], $0x10, s15, s13, $0xb8;
	[tilespmem:$0x5800] =	vst v63  }
0x1d: {  	_ =	swait.ge [sflag:s10], $0x800  }
0x1e: {  	s15 =	simm.s32 $0x200;
	[sflag:s10] =	ssyncset.done $0x0  }
.LBB2_2:
0x1f: {  	s16 =	sshra.s32 s15, $0x2;
	[sflag:s10] =	ssyncadd.s32 $0xFFFFF800;
	p0 =	sne.s32 s15, $0x9E00  }
0x20: {  	[spmem:s2] =	stream.indirect.scatter.add.f32 [tilespmem:s9], [sflag:$0x1], $0x10, s16, s13, $0xb8;
	[tilespmem:$0x5800] =	vst v63  }
.Ltmp0:
0x21: {  	_ = 	snop;
	(pc) =	sbr.rel @p0 .LBB2_2-.Ltmp0, $4  }
0x22: {  	_ = 	snop  }
0x23: {  	s15 =	sadd.s32 $0x200, s15  }
0x24: {  	_ =	swait.ge [sflag:s10], $0x800  }
0x25: {  	[sflag:s10] =	ssyncset.done $0x0  }
0x26: {  	s14 =	sadd.s32 $0x1, s14  }
0x27: {  	[sflag:s10] =	ssyncadd.s32 $0xFFFFF800;
	p0 =	sne.s32 s14, s8  }
.Ltmp1:
0x28: {  	[bflag:$0x0] =	sbarrier.arrive $0xFFFF;
	(pc) =	sbr.rel @p0 .LBB2_1-.Ltmp1, $4  }
0x29: {  	[hbm:s7], [sflag:s11] =	dma.local [spmem:s12], $0x500  }
0x2a: {  	_ =	swait.ge [sflag:s10], $0x500  }
0x2b: {  	[sflag:s10] =	ssyncset.done $0x0  }
0x2c: {  	[sflag:s10] =	ssyncadd.s32 $0xFFFFFB00  }
0x2d: {  	_ =	sfence.sel $0x180000  }
0x2e: {  	[bflag:$0x0] =	sbarrier.arrive $0xFFFF  }
0x2f: {  	p0 =	sne.s32 s1, $0x0;
	_ =	strace $0x90000047  }
0x30: {  	s0 =	sadd.s32 @!p0 $0x100000, s0;
	[bflag:$0x2] =	sbarrier.arrive $0xFFFF  }
0x31: {  	[sflag:s0] =	ssyncadd.tile.s32 @!p0 $0x1;
	_ =	shalt  }
.Lfunc_end2:
_tile_overlayer_lowered:
.L_overlay_start_2:
0x32: {  	(tag) =	ssettag $0x2  }
0x33: {  	s0 =	rddreg [dreg:$0x0];
	s2 =	stileid.u32  }
0x34: {  	s1 =	rddreg [dreg:$0x1];
	p0 =	sne.s32 s2, $0x0  }
0x35: {  	s3 =	rddreg [dreg:$0x2];
	[bflag:$0x3] =	sbarrier.arrive $0xFFFF;
	s2 =	simm.s32 @!p0 $0x1C01  }
0x36: {  	[timem:s3], [sflag:s2] =	dma.local @!p0 [hbm:s0], s1  }
0x37: {  	s0 =	simm.s32 @!p0 $0x1  }
0x38: {  	_ =	swait.ge @!p0 [sflag:s0], s1  }
0x39: {  	s1 =	ssub.s32 @!p0 $0x0, s1;
	[sflag:s0] =	ssyncset.done @!p0 $0x0  }
0x3a: {  	[sflag:s0] =	ssyncadd.s32 @!p0 s1  }
0x3b: {  	[bflag:$0x3] =	sbarrier.arrive $0xFFFF  }
0x3c: {  	_ =	shalt  }

</sc_bundles>
